<compile_context>
chip_gen: v7x
topology: tpu7x:2x2x1
jax: 0.10.2.dev20260603
libtpu: 0.0.44.dev20260713+nightly
codegen_flags: <defaults>
</compile_context>

<pallas_src>
import functools

import jax
import jax.numpy as jnp
from jax import lax
from jax.experimental import pallas as pl
from jax.experimental.pallas import tpu as pltpu
from jax.experimental.pallas import tpu_sc as plsc

N_PAD = 5120
PER_W = N_PAD // 16
VREGS = PER_W // 16
MAX_OUT = 100
ROW = 8


def _splat(x):
    return jnp.full((16,), x)


def _vperm(v, p):
    return lax.gather(
        v, p[:, None],
        dimension_numbers=lax.GatherDimensionNumbers(
            offset_dims=(), collapsed_slice_dims=(0,), start_index_map=(0,)),
        slice_sizes=(1,),
        mode=lax.GatherScatterMode.PROMISE_IN_BOUNDS)


def _amax_merge(m, mi, b, bi):
    take = jnp.logical_or(b > m, jnp.logical_and(b == m, bi < mi))
    return jnp.where(take, b, m), jnp.where(take, bi, mi)


def _nms_body(y1h, x1h, y2h, x2h, sh, outh,
              y1v, x1v, y2v, x2v, sv, areav,
              stage, table_sh, tablev, outv):
    cid = lax.axis_index("c")
    wid = lax.axis_index("s")
    base = wid * PER_W
    iota = lax.iota(jnp.int32, 16)

    pltpu.sync_copy(y1h.at[pl.ds(base, PER_W)], y1v)
    pltpu.sync_copy(x1h.at[pl.ds(base, PER_W)], x1v)
    pltpu.sync_copy(y2h.at[pl.ds(base, PER_W)], y2v)
    pltpu.sync_copy(x2h.at[pl.ds(base, PER_W)], x2v)
    pltpu.sync_copy(sh.at[pl.ds(base, PER_W)], sv)

    scores0 = []
    for j in range(VREGS):
        sl = pl.ds(j * 16, 16)
        areav[sl] = (y2v[sl] - y1v[sl]) * (x2v[sl] - x1v[sl])
        scores0.append(sv[sl])

    perms = [jnp.bitwise_xor(iota, jnp.int32(p)) for p in (1, 2, 4, 8)]

    zero = jnp.zeros((16,), jnp.float32)

    def body(t, carry):
        py1, px1, py2, px2, pa = carry[:5]
        scores = carry[5:]

        best = jnp.full((16,), -2.0)
        bidx = jnp.zeros((16,), jnp.int32)
        idxv = base + iota
        new_scores = []
        for j in range(VREGS):
            sl = pl.ds(j * 16, 16)
            iy1 = jnp.maximum(py1, y1v[sl])
            ix1 = jnp.maximum(px1, x1v[sl])
            iy2 = jnp.minimum(py2, y2v[sl])
            ix2 = jnp.minimum(px2, x2v[sl])
            inter = jnp.maximum(iy2 - iy1, 0.0) * jnp.maximum(ix2 - ix1, 0.0)
            union = pa + areav[sl] - inter
            s = jnp.where(inter + inter > union, -1.0, scores[j])
            new_scores.append(s)
            gt = s > best
            best = jnp.where(gt, s, best)
            bidx = jnp.where(gt, idxv, bidx)
            idxv = idxv + 16

        lm, li = best, bidx
        for p in perms:
            lm, li = _amax_merge(lm, li, _vperm(lm, p), _vperm(li, p))

        wy1 = plsc.load_gather(y1v, [li - base])
        wx1 = plsc.load_gather(x1v, [li - base])
        wy2 = plsc.load_gather(y2v, [li - base])
        wx2 = plsc.load_gather(x2v, [li - base])

        gsp = lm
        lsp = li.astype(jnp.float32)
        row = jnp.where(iota == 0, gsp,
              jnp.where(iota == 1, lsp,
              jnp.where(iota == 2, wy1,
              jnp.where(iota == 3, wx1,
              jnp.where(iota == 4, wy2, wx2)))))
        stage[...] = row
        off = (t & 1) * (16 * ROW)
        pltpu.sync_copy(stage.at[pl.ds(0, ROW)],
                        table_sh.at[pl.ds(off + wid * ROW, ROW)])
        plsc.subcore_barrier()
        pltpu.sync_copy(table_sh.at[pl.ds(off, 16 * ROW)], tablev)

        col = iota * ROW
        vals = plsc.load_gather(tablev, [col])
        gmax = jnp.max(vals)
        wrow = plsc.all_reduce_ffs(vals == gmax)
        rb = (wrow * ROW) if wrow.shape == (16,) else _splat(wrow * ROW)
        npy1 = plsc.load_gather(tablev, [rb + 2])
        npx1 = plsc.load_gather(tablev, [rb + 3])
        npy2 = plsc.load_gather(tablev, [rb + 4])
        npx2 = plsc.load_gather(tablev, [rb + 5])
        npa = (npy2 - npy1) * (npx2 - npx1)

        has = gmax >= 0.0
        hasf = _splat(jnp.where(has, 1.0, 0.0).astype(jnp.float32))

        @pl.when(jnp.logical_and(cid == 0, wid == 0))
        def _():
            v = jnp.where(iota == 0, npy1,
                jnp.where(iota == 1, npx1,
                jnp.where(iota == 2, npy2, npx2))) * hasf
            plsc.store_scatter(outv, [t * 4 + iota], v, mask=iota < 4)

        return (npy1, npx1, npy2, npx2, npa, *new_scores)

    lax.fori_loop(0, MAX_OUT, body, (zero, zero, zero, zero, zero, *scores0),
                  unroll=False)

    @pl.when(jnp.logical_and(cid == 0, wid == 0))
    def _():
        pltpu.sync_copy(outv.at[pl.ds(0, MAX_OUT * 4)], outh)


@jax.jit
def _nms(y1, x1, y2, x2, s):
    mesh = plsc.VectorSubcoreMesh(core_axis_name="c", subcore_axis_name="s",
                                  num_cores=1)
    f = functools.partial(
        pl.kernel,
        mesh=mesh,
        compiler_params=pltpu.CompilerParams(needs_layout_passes=False),
        out_type=jax.ShapeDtypeStruct((MAX_OUT * 4,), jnp.float32),
        scratch_types=[
            pltpu.VMEM((PER_W,), jnp.float32),
            pltpu.VMEM((PER_W,), jnp.float32),
            pltpu.VMEM((PER_W,), jnp.float32),
            pltpu.VMEM((PER_W,), jnp.float32),
            pltpu.VMEM((PER_W,), jnp.float32),
            pltpu.VMEM((PER_W,), jnp.float32),
            pltpu.VMEM((16,), jnp.float32),
            pltpu.VMEM_SHARED((2 * 16 * ROW,), jnp.float32),
            pltpu.VMEM((16 * ROW,), jnp.float32),
            pltpu.VMEM((MAX_OUT * 4 + 16,), jnp.float32),
        ],
    )(_nms_body)
    return f(y1, x1, y2, x2, s)


def kernel(boxes, scores, max_output_size):
    n = boxes.shape[0]
    pad = N_PAD - n
    y1 = jnp.pad(boxes[:, 0], (0, pad))
    x1 = jnp.pad(boxes[:, 1], (0, pad))
    y2 = jnp.pad(boxes[:, 2], (0, pad))
    x2 = jnp.pad(boxes[:, 3], (0, pad))
    s = jnp.pad(scores, (0, pad), constant_values=-1.0)
    out = _nms(y1, x1, y2, x2, s).reshape(MAX_OUT, 4)
    keep = (lax.iota(jnp.int32, MAX_OUT) < max_output_size)[:, None]
    return jnp.where(keep, out, 0.0)

# --- scband reference (transcript-rebuilt; emitter-appended) ---
"""Pipeline reference for scband-detector-model-40982577938588 (READ-ONLY COPY).

The authoritative reference and input builder live on the scoring server;
editing this copy changes nothing except your own understanding.
"""

import jax, jax.numpy as jnp
import numpy as np


def _iou_one_vs_all(box, boxes):
    y1 = jnp.maximum(box[0], boxes[:, 0])
    x1 = jnp.maximum(box[1], boxes[:, 1])
    y2 = jnp.minimum(box[2], boxes[:, 2])
    x2 = jnp.minimum(box[3], boxes[:, 3])
    inter = jnp.maximum(y2 - y1, 0.0) * jnp.maximum(x2 - x1, 0.0)
    area_a = (box[2] - box[0]) * (box[3] - box[1])
    area_b = (boxes[:, 2] - boxes[:, 0]) * (boxes[:, 3] - boxes[:, 1])
    union = area_a + area_b - inter
    return inter / jnp.maximum(union, 1e-9)


def setup_inputs(seed: int = 0) -> dict:
    key = jax.random.key(seed)
    k1, k2, k3 = jax.random.split(key, 3)
    n = 5000
    # well-formed (y1, x1, y2, x2) boxes on a 512x512 canvas
    yx = jax.random.uniform(k1, (n, 2), dtype=jnp.float32) * 512.0
    hw = jax.random.uniform(k2, (n, 2), dtype=jnp.float32) * 64.0 + 1.0
    boxes = jnp.concatenate([yx, yx + hw], axis=1).astype(jnp.float32)
    scores = jax.random.uniform(k3, (n,), dtype=jnp.float32)
    return {"boxes": boxes, "scores": scores, "max_output_size": 100}


def reference(boxes, scores, max_output_size):
    # Faithful jax translation of DetectorModel.postprocess_detections:
    #   tf.image.non_max_suppression(boxes, scores, max_output_size=100)
    #   followed by tf.gather(boxes, nms_indices).
    # Greedy NMS with default iou_threshold=0.5; output padded to
    # max_output_size rows (invalid slots zeroed).
    iou_threshold = 0.5
    order = jnp.argsort(-scores)
    boxes_s = jnp.take(boxes, order, axis=0)
    n = boxes_s.shape[0]
    suppressed = jnp.zeros((n,), dtype=bool)
    selected = jnp.full((100,), -1, dtype=jnp.int32)

    def body(i, carry):
        suppressed, selected = carry
        valid = jnp.logical_not(suppressed)
        has = jnp.any(valid)
        idx = jnp.where(has, jnp.argmax(valid), 0).astype(jnp.int32)
        iou = _iou_one_vs_all(boxes_s[idx], boxes_s)
        new_sup = jnp.logical_or(suppressed, iou > iou_threshold)
        new_sup = new_sup.at[idx].set(True)
        suppressed = jnp.where(has, new_sup, suppressed)
        selected = selected.at[i].set(jnp.where(has, idx, jnp.int32(-1)))
        return (suppressed, selected)

    suppressed, selected = jax.lax.fori_loop(0, max_output_size, body, (suppressed, selected))
    safe = jnp.maximum(selected, 0)
    out = jnp.take(boxes_s, safe, axis=0)
    out = jnp.where((selected >= 0)[:, None], out, 0.0)
    return out

if __name__ == "__main__":
    import jax
    _d = setup_inputs()
    print(jax.jit(kernel)(*tuple(_d.values())))

</pallas_src>

<mosaic_0001>
#map = affine_map<(d0, d1) -> (0)>
module attributes {stable_mosaic.version = 14 : i64} {
  func.func @_nms_body(%arg0: i32, %arg1: i32, %arg2: memref<5120xf32, #tpu.memory_space<hbm>>, %arg3: memref<5120xf32, #tpu.memory_space<hbm>>, %arg4: memref<5120xf32, #tpu.memory_space<hbm>>, %arg5: memref<5120xf32, #tpu.memory_space<hbm>>, %arg6: memref<5120xf32, #tpu.memory_space<hbm>>, %arg7: memref<400xf32, #tpu.memory_space<hbm>>, %arg8: memref<320xf32, #tpu.memory_space<vmem>>, %arg9: memref<320xf32, #tpu.memory_space<vmem>>, %arg10: memref<320xf32, #tpu.memory_space<vmem>>, %arg11: memref<320xf32, #tpu.memory_space<vmem>>, %arg12: memref<320xf32, #tpu.memory_space<vmem>>, %arg13: memref<320xf32, #tpu.memory_space<vmem>>, %arg14: memref<16xf32, #tpu.memory_space<vmem>>, %arg15: memref<256xf32, #tpu.memory_space<vmem_shared>>, %arg16: memref<128xf32, #tpu.memory_space<vmem>>, %arg17: memref<416xf32, #tpu.memory_space<vmem>>) attributes {dimension_semantics = [#tpu.dimension_semantics<core_parallel>, #tpu.dimension_semantics<subcore_parallel>], iteration_bounds = array<i64: 1, 16>, scalar_prefetch = 0 : i64, scratch_operands = 10 : i64, tpu.core_type = #tpu.core_type<sc_vector_subcore>, window_params = [{transform_indices = #map}, {transform_indices = #map}, {transform_indices = #map}, {transform_indices = #map}, {transform_indices = #map}, {transform_indices = #map}]} {
    %mul3A = arith.constant 320 : i32
    %mul3A_0 = arith.muli %arg1, %mul3A : i32
    %iota3A = tpu.iota {dimensions = array<i32: 0>} : vector<16xi32>
    "tpu.region"() ({
      %run_scoped3A = tpu.sem_alloc : memref<!tpu.dma_semaphore, #tpu.memory_space<semaphore_mem>>
      %dma_start3A = tpu.memref_slice %arg2[%mul3A_0] : memref<5120xf32, #tpu.memory_space<hbm>> -> memref<320xf32, #tpu.memory_space<hbm>>
      %dma_start3A_319 = tpu.memref_slice %arg2[%mul3A_0] : memref<5120xf32, #tpu.memory_space<hbm>> -> memref<320xf32, #tpu.memory_space<hbm>>
      tpu.enqueue_dma source(%dma_start3A_319 : memref<320xf32, #tpu.memory_space<hbm>>) target(%arg8 : memref<320xf32, #tpu.memory_space<vmem>>) target_semaphore(%run_scoped3A : memref<!tpu.dma_semaphore, #tpu.memory_space<semaphore_mem>>)
      %dma_wait3A = tpu.memref_slice %arg2[%mul3A_0] : memref<5120xf32, #tpu.memory_space<hbm>> -> memref<320xf32, #tpu.memory_space<hbm>>
      %dma_wait3A_320 = tpu.memref_slice %arg2[%mul3A_0] : memref<5120xf32, #tpu.memory_space<hbm>> -> memref<320xf32, #tpu.memory_space<hbm>>
      tpu.wait_dma2 semaphore(%run_scoped3A : memref<!tpu.dma_semaphore, #tpu.memory_space<semaphore_mem>>) src(%dma_wait3A_320 : memref<320xf32, #tpu.memory_space<hbm>>) dst(%arg8 : memref<320xf32, #tpu.memory_space<vmem>>)
      tpu.yield
    }) : () -> ()
    "tpu.region"() ({
      %run_scoped3A = tpu.sem_alloc : memref<!tpu.dma_semaphore, #tpu.memory_space<semaphore_mem>>
      %dma_start3A = tpu.memref_slice %arg3[%mul3A_0] : memref<5120xf32, #tpu.memory_space<hbm>> -> memref<320xf32, #tpu.memory_space<hbm>>
      %dma_start3A_319 = tpu.memref_slice %arg3[%mul3A_0] : memref<5120xf32, #tpu.memory_space<hbm>> -> memref<320xf32, #tpu.memory_space<hbm>>
      tpu.enqueue_dma source(%dma_start3A_319 : memref<320xf32, #tpu.memory_space<hbm>>) target(%arg9 : memref<320xf32, #tpu.memory_space<vmem>>) target_semaphore(%run_scoped3A : memref<!tpu.dma_semaphore, #tpu.memory_space<semaphore_mem>>)
      %dma_wait3A = tpu.memref_slice %arg3[%mul3A_0] : memref<5120xf32, #tpu.memory_space<hbm>> -> memref<320xf32, #tpu.memory_space<hbm>>
      %dma_wait3A_320 = tpu.memref_slice %arg3[%mul3A_0] : memref<5120xf32, #tpu.memory_space<hbm>> -> memref<320xf32, #tpu.memory_space<hbm>>
      tpu.wait_dma2 semaphore(%run_scoped3A : memref<!tpu.dma_semaphore, #tpu.memory_space<semaphore_mem>>) src(%dma_wait3A_320 : memref<320xf32, #tpu.memory_space<hbm>>) dst(%arg9 : memref<320xf32, #tpu.memory_space<vmem>>)
      tpu.yield
    }) : () -> ()
    "tpu.region"() ({
      %run_scoped3A = tpu.sem_alloc : memref<!tpu.dma_semaphore, #tpu.memory_space<semaphore_mem>>
      %dma_start3A = tpu.memref_slice %arg4[%mul3A_0] : memref<5120xf32, #tpu.memory_space<hbm>> -> memref<320xf32, #tpu.memory_space<hbm>>
      %dma_start3A_319 = tpu.memref_slice %arg4[%mul3A_0] : memref<5120xf32, #tpu.memory_space<hbm>> -> memref<320xf32, #tpu.memory_space<hbm>>
      tpu.enqueue_dma source(%dma_start3A_319 : memref<320xf32, #tpu.memory_space<hbm>>) target(%arg10 : memref<320xf32, #tpu.memory_space<vmem>>) target_semaphore(%run_scoped3A : memref<!tpu.dma_semaphore, #tpu.memory_space<semaphore_mem>>)
      %dma_wait3A = tpu.memref_slice %arg4[%mul3A_0] : memref<5120xf32, #tpu.memory_space<hbm>> -> memref<320xf32, #tpu.memory_space<hbm>>
      %dma_wait3A_320 = tpu.memref_slice %arg4[%mul3A_0] : memref<5120xf32, #tpu.memory_space<hbm>> -> memref<320xf32, #tpu.memory_space<hbm>>
      tpu.wait_dma2 semaphore(%run_scoped3A : memref<!tpu.dma_semaphore, #tpu.memory_space<semaphore_mem>>) src(%dma_wait3A_320 : memref<320xf32, #tpu.memory_space<hbm>>) dst(%arg10 : memref<320xf32, #tpu.memory_space<vmem>>)
      tpu.yield
    }) : () -> ()
    "tpu.region"() ({
      %run_scoped3A = tpu.sem_alloc : memref<!tpu.dma_semaphore, #tpu.memory_space<semaphore_mem>>
      %dma_start3A = tpu.memref_slice %arg5[%mul3A_0] : memref<5120xf32, #tpu.memory_space<hbm>> -> memref<320xf32, #tpu.memory_space<hbm>>
      %dma_start3A_319 = tpu.memref_slice %arg5[%mul3A_0] : memref<5120xf32, #tpu.memory_space<hbm>> -> memref<320xf32, #tpu.memory_space<hbm>>
      tpu.enqueue_dma source(%dma_start3A_319 : memref<320xf32, #tpu.memory_space<hbm>>) target(%arg11 : memref<320xf32, #tpu.memory_space<vmem>>) target_semaphore(%run_scoped3A : memref<!tpu.dma_semaphore, #tpu.memory_space<semaphore_mem>>)
      %dma_wait3A = tpu.memref_slice %arg5[%mul3A_0] : memref<5120xf32, #tpu.memory_space<hbm>> -> memref<320xf32, #tpu.memory_space<hbm>>
      %dma_wait3A_320 = tpu.memref_slice %arg5[%mul3A_0] : memref<5120xf32, #tpu.memory_space<hbm>> -> memref<320xf32, #tpu.memory_space<hbm>>
      tpu.wait_dma2 semaphore(%run_scoped3A : memref<!tpu.dma_semaphore, #tpu.memory_space<semaphore_mem>>) src(%dma_wait3A_320 : memref<320xf32, #tpu.memory_space<hbm>>) dst(%arg11 : memref<320xf32, #tpu.memory_space<vmem>>)
      tpu.yield
    }) : () -> ()
    "tpu.region"() ({
      %run_scoped3A = tpu.sem_alloc : memref<!tpu.dma_semaphore, #tpu.memory_space<semaphore_mem>>
      %dma_start3A = tpu.memref_slice %arg6[%mul3A_0] : memref<5120xf32, #tpu.memory_space<hbm>> -> memref<320xf32, #tpu.memory_space<hbm>>
      %dma_start3A_319 = tpu.memref_slice %arg6[%mul3A_0] : memref<5120xf32, #tpu.memory_space<hbm>> -> memref<320xf32, #tpu.memory_space<hbm>>
      tpu.enqueue_dma source(%dma_start3A_319 : memref<320xf32, #tpu.memory_space<hbm>>) target(%arg12 : memref<320xf32, #tpu.memory_space<vmem>>) target_semaphore(%run_scoped3A : memref<!tpu.dma_semaphore, #tpu.memory_space<semaphore_mem>>)
      %dma_wait3A = tpu.memref_slice %arg6[%mul3A_0] : memref<5120xf32, #tpu.memory_space<hbm>> -> memref<320xf32, #tpu.memory_space<hbm>>
      %dma_wait3A_320 = tpu.memref_slice %arg6[%mul3A_0] : memref<5120xf32, #tpu.memory_space<hbm>> -> memref<320xf32, #tpu.memory_space<hbm>>
      tpu.wait_dma2 semaphore(%run_scoped3A : memref<!tpu.dma_semaphore, #tpu.memory_space<semaphore_mem>>) src(%dma_wait3A_320 : memref<320xf32, #tpu.memory_space<hbm>>) dst(%arg12 : memref<320xf32, #tpu.memory_space<vmem>>)
      tpu.yield
    }) : () -> ()
    %get3A = arith.constant 0 : index
    %get3A_1 = tpu.vector_load %arg10[%get3A] {strides = array<i32>} : memref<320xf32, #tpu.memory_space<vmem>>, vector<16xf32>,
    %get3A_2 = arith.constant 0 : index
    %get3A_3 = tpu.vector_load %arg8[%get3A_2] {strides = array<i32>} : memref<320xf32, #tpu.memory_space<vmem>>, vector<16xf32>,
    %sub3A = arith.subf %get3A_1, %get3A_3 : vector<16xf32>
    %get3A_4 = arith.constant 0 : index
    %get3A_5 = tpu.vector_load %arg11[%get3A_4] {strides = array<i32>} : memref<320xf32, #tpu.memory_space<vmem>>, vector<16xf32>,
    %get3A_6 = arith.constant 0 : index
    %get3A_7 = tpu.vector_load %arg9[%get3A_6] {strides = array<i32>} : memref<320xf32, #tpu.memory_space<vmem>>, vector<16xf32>,
    %sub3A_8 = arith.subf %get3A_5, %get3A_7 : vector<16xf32>
    %mul3A_9 = arith.mulf %sub3A, %sub3A_8 : vector<16xf32>
    %swap3A = arith.constant 0 : index
    %swap3A_10 = tpu.vector_load %arg13[%swap3A] {strides = array<i32>} : memref<320xf32, #tpu.memory_space<vmem>>, vector<16xf32>,
    tpu.vector_store %arg13[%swap3A], %mul3A_9 {strides = array<i32>} : memref<320xf32, #tpu.memory_space<vmem>>, vector<16xf32>,
    %get3A_11 = arith.constant 0 : index
    %get3A_12 = tpu.vector_load %arg12[%get3A_11] {strides = array<i32>} : memref<320xf32, #tpu.memory_space<vmem>>, vector<16xf32>,
    %get3A_13 = arith.constant 16 : index
    %get3A_14 = tpu.vector_load %arg10[%get3A_13] {strides = array<i32>} : memref<320xf32, #tpu.memory_space<vmem>>, vector<16xf32>,
    %get3A_15 = arith.constant 16 : index
    %get3A_16 = tpu.vector_load %arg8[%get3A_15] {strides = array<i32>} : memref<320xf32, #tpu.memory_space<vmem>>, vector<16xf32>,
    %sub3A_17 = arith.subf %get3A_14, %get3A_16 : vector<16xf32>
    %get3A_18 = arith.constant 16 : index
    %get3A_19 = tpu.vector_load %arg11[%get3A_18] {strides = array<i32>} : memref<320xf32, #tpu.memory_space<vmem>>, vector<16xf32>,
    %get3A_20 = arith.constant 16 : index
    %get3A_21 = tpu.vector_load %arg9[%get3A_20] {strides = array<i32>} : memref<320xf32, #tpu.memory_space<vmem>>, vector<16xf32>,
    %sub3A_22 = arith.subf %get3A_19, %get3A_21 : vector<16xf32>
    %mul3A_23 = arith.mulf %sub3A_17, %sub3A_22 : vector<16xf32>
    %swap3A_24 = arith.constant 16 : index
    %swap3A_25 = tpu.vector_load %arg13[%swap3A_24] {strides = array<i32>} : memref<320xf32, #tpu.memory_space<vmem>>, vector<16xf32>,
    tpu.vector_store %arg13[%swap3A_24], %mul3A_23 {strides = array<i32>} : memref<320xf32, #tpu.memory_space<vmem>>, vector<16xf32>,
    %get3A_26 = arith.constant 16 : index
    %get3A_27 = tpu.vector_load %arg12[%get3A_26] {strides = array<i32>} : memref<320xf32, #tpu.memory_space<vmem>>, vector<16xf32>,
    %get3A_28 = arith.constant 32 : index
    %get3A_29 = tpu.vector_load %arg10[%get3A_28] {strides = array<i32>} : memref<320xf32, #tpu.memory_space<vmem>>, vector<16xf32>,
    %get3A_30 = arith.constant 32 : index
    %get3A_31 = tpu.vector_load %arg8[%get3A_30] {strides = array<i32>} : memref<320xf32, #tpu.memory_space<vmem>>, vector<16xf32>,
    %sub3A_32 = arith.subf %get3A_29, %get3A_31 : vector<16xf32>
    %get3A_33 = arith.constant 32 : index
    %get3A_34 = tpu.vector_load %arg11[%get3A_33] {strides = array<i32>} : memref<320xf32, #tpu.memory_space<vmem>>, vector<16xf32>,
    %get3A_35 = arith.constant 32 : index
    %get3A_36 = tpu.vector_load %arg9[%get3A_35] {strides = array<i32>} : memref<320xf32, #tpu.memory_space<vmem>>, vector<16xf32>,
    %sub3A_37 = arith.subf %get3A_34, %get3A_36 : vector<16xf32>
    %mul3A_38 = arith.mulf %sub3A_32, %sub3A_37 : vector<16xf32>
    %swap3A_39 = arith.constant 32 : index
    %swap3A_40 = tpu.vector_load %arg13[%swap3A_39] {strides = array<i32>} : memref<320xf32, #tpu.memory_space<vmem>>, vector<16xf32>,
    tpu.vector_store %arg13[%swap3A_39], %mul3A_38 {strides = array<i32>} : memref<320xf32, #tpu.memory_space<vmem>>, vector<16xf32>,
    %get3A_41 = arith.constant 32 : index
    %get3A_42 = tpu.vector_load %arg12[%get3A_41] {strides = array<i32>} : memref<320xf32, #tpu.memory_space<vmem>>, vector<16xf32>,
    %get3A_43 = arith.constant 48 : index
    %get3A_44 = tpu.vector_load %arg10[%get3A_43] {strides = array<i32>} : memref<320xf32, #tpu.memory_space<vmem>>, vector<16xf32>,
    %get3A_45 = arith.constant 48 : index
    %get3A_46 = tpu.vector_load %arg8[%get3A_45] {strides = array<i32>} : memref<320xf32, #tpu.memory_space<vmem>>, vector<16xf32>,
    %sub3A_47 = arith.subf %get3A_44, %get3A_46 : vector<16xf32>
    %get3A_48 = arith.constant 48 : index
    %get3A_49 = tpu.vector_load %arg11[%get3A_48] {strides = array<i32>} : memref<320xf32, #tpu.memory_space<vmem>>, vector<16xf32>,
    %get3A_50 = arith.constant 48 : index
    %get3A_51 = tpu.vector_load %arg9[%get3A_50] {strides = array<i32>} : memref<320xf32, #tpu.memory_space<vmem>>, vector<16xf32>,
    %sub3A_52 = arith.subf %get3A_49, %get3A_51 : vector<16xf32>
    %mul3A_53 = arith.mulf %sub3A_47, %sub3A_52 : vector<16xf32>
    %swap3A_54 = arith.constant 48 : index
    %swap3A_55 = tpu.vector_load %arg13[%swap3A_54] {strides = array<i32>} : memref<320xf32, #tpu.memory_space<vmem>>, vector<16xf32>,
    tpu.vector_store %arg13[%swap3A_54], %mul3A_53 {strides = array<i32>} : memref<320xf32, #tpu.memory_space<vmem>>, vector<16xf32>,
    %get3A_56 = arith.constant 48 : index
    %get3A_57 = tpu.vector_load %arg12[%get3A_56] {strides = array<i32>} : memref<320xf32, #tpu.memory_space<vmem>>, vector<16xf32>,
    %get3A_58 = arith.constant 64 : index
    %get3A_59 = tpu.vector_load %arg10[%get3A_58] {strides = array<i32>} : memref<320xf32, #tpu.memory_space<vmem>>, vector<16xf32>,
    %get3A_60 = arith.constant 64 : index
    %get3A_61 = tpu.vector_load %arg8[%get3A_60] {strides = array<i32>} : memref<320xf32, #tpu.memory_space<vmem>>, vector<16xf32>,
    %sub3A_62 = arith.subf %get3A_59, %get3A_61 : vector<16xf32>
    %get3A_63 = arith.constant 64 : index
    %get3A_64 = tpu.vector_load %arg11[%get3A_63] {strides = array<i32>} : memref<320xf32, #tpu.memory_space<vmem>>, vector<16xf32>,
    %get3A_65 = arith.constant 64 : index
    %get3A_66 = tpu.vector_load %arg9[%get3A_65] {strides = array<i32>} : memref<320xf32, #tpu.memory_space<vmem>>, vector<16xf32>,
    %sub3A_67 = arith.subf %get3A_64, %get3A_66 : vector<16xf32>
    %mul3A_68 = arith.mulf %sub3A_62, %sub3A_67 : vector<16xf32>
    %swap3A_69 = arith.constant 64 : index
    %swap3A_70 = tpu.vector_load %arg13[%swap3A_69] {strides = array<i32>} : memref<320xf32, #tpu.memory_space<vmem>>, vector<16xf32>,
    tpu.vector_store %arg13[%swap3A_69], %mul3A_68 {strides = array<i32>} : memref<320xf32, #tpu.memory_space<vmem>>, vector<16xf32>,
    %get3A_71 = arith.constant 64 : index
    %get3A_72 = tpu.vector_load %arg12[%get3A_71] {strides = array<i32>} : memref<320xf32, #tpu.memory_space<vmem>>, vector<16xf32>,
    %get3A_73 = arith.constant 80 : index
    %get3A_74 = tpu.vector_load %arg10[%get3A_73] {strides = array<i32>} : memref<320xf32, #tpu.memory_space<vmem>>, vector<16xf32>,
    %get3A_75 = arith.constant 80 : index
    %get3A_76 = tpu.vector_load %arg8[%get3A_75] {strides = array<i32>} : memref<320xf32, #tpu.memory_space<vmem>>, vector<16xf32>,
    %sub3A_77 = arith.subf %get3A_74, %get3A_76 : vector<16xf32>
    %get3A_78 = arith.constant 80 : index
    %get3A_79 = tpu.vector_load %arg11[%get3A_78] {strides = array<i32>} : memref<320xf32, #tpu.memory_space<vmem>>, vector<16xf32>,
    %get3A_80 = arith.constant 80 : index
    %get3A_81 = tpu.vector_load %arg9[%get3A_80] {strides = array<i32>} : memref<320xf32, #tpu.memory_space<vmem>>, vector<16xf32>,
    %sub3A_82 = arith.subf %get3A_79, %get3A_81 : vector<16xf32>
    %mul3A_83 = arith.mulf %sub3A_77, %sub3A_82 : vector<16xf32>
    %swap3A_84 = arith.constant 80 : index
    %swap3A_85 = tpu.vector_load %arg13[%swap3A_84] {strides = array<i32>} : memref<320xf32, #tpu.memory_space<vmem>>, vector<16xf32>,
    tpu.vector_store %arg13[%swap3A_84], %mul3A_83 {strides = array<i32>} : memref<320xf32, #tpu.memory_space<vmem>>, vector<16xf32>,
    %get3A_86 = arith.constant 80 : index
    %get3A_87 = tpu.vector_load %arg12[%get3A_86] {strides = array<i32>} : memref<320xf32, #tpu.memory_space<vmem>>, vector<16xf32>,
    %get3A_88 = arith.constant 96 : index
    %get3A_89 = tpu.vector_load %arg10[%get3A_88] {strides = array<i32>} : memref<320xf32, #tpu.memory_space<vmem>>, vector<16xf32>,
    %get3A_90 = arith.constant 96 : index
    %get3A_91 = tpu.vector_load %arg8[%get3A_90] {strides = array<i32>} : memref<320xf32, #tpu.memory_space<vmem>>, vector<16xf32>,
    %sub3A_92 = arith.subf %get3A_89, %get3A_91 : vector<16xf32>
    %get3A_93 = arith.constant 96 : index
    %get3A_94 = tpu.vector_load %arg11[%get3A_93] {strides = array<i32>} : memref<320xf32, #tpu.memory_space<vmem>>, vector<16xf32>,
    %get3A_95 = arith.constant 96 : index
    %get3A_96 = tpu.vector_load %arg9[%get3A_95] {strides = array<i32>} : memref<320xf32, #tpu.memory_space<vmem>>, vector<16xf32>,
    %sub3A_97 = arith.subf %get3A_94, %get3A_96 : vector<16xf32>
    %mul3A_98 = arith.mulf %sub3A_92, %sub3A_97 : vector<16xf32>
    %swap3A_99 = arith.constant 96 : index
    %swap3A_100 = tpu.vector_load %arg13[%swap3A_99] {strides = array<i32>} : memref<320xf32, #tpu.memory_space<vmem>>, vector<16xf32>,
    tpu.vector_store %arg13[%swap3A_99], %mul3A_98 {strides = array<i32>} : memref<320xf32, #tpu.memory_space<vmem>>, vector<16xf32>,
    %get3A_101 = arith.constant 96 : index
    %get3A_102 = tpu.vector_load %arg12[%get3A_101] {strides = array<i32>} : memref<320xf32, #tpu.memory_space<vmem>>, vector<16xf32>,
    %get3A_103 = arith.constant 112 : index
    %get3A_104 = tpu.vector_load %arg10[%get3A_103] {strides = array<i32>} : memref<320xf32, #tpu.memory_space<vmem>>, vector<16xf32>,
    %get3A_105 = arith.constant 112 : index
    %get3A_106 = tpu.vector_load %arg8[%get3A_105] {strides = array<i32>} : memref<320xf32, #tpu.memory_space<vmem>>, vector<16xf32>,
    %sub3A_107 = arith.subf %get3A_104, %get3A_106 : vector<16xf32>
    %get3A_108 = arith.constant 112 : index
    %get3A_109 = tpu.vector_load %arg11[%get3A_108] {strides = array<i32>} : memref<320xf32, #tpu.memory_space<vmem>>, vector<16xf32>,
    %get3A_110 = arith.constant 112 : index
    %get3A_111 = tpu.vector_load %arg9[%get3A_110] {strides = array<i32>} : memref<320xf32, #tpu.memory_space<vmem>>, vector<16xf32>,
    %sub3A_112 = arith.subf %get3A_109, %get3A_111 : vector<16xf32>
    %mul3A_113 = arith.mulf %sub3A_107, %sub3A_112 : vector<16xf32>
    %swap3A_114 = arith.constant 112 : index
    %swap3A_115 = tpu.vector_load %arg13[%swap3A_114] {strides = array<i32>} : memref<320xf32, #tpu.memory_space<vmem>>, vector<16xf32>,
    tpu.vector_store %arg13[%swap3A_114], %mul3A_113 {strides = array<i32>} : memref<320xf32, #tpu.memory_space<vmem>>, vector<16xf32>,
    %get3A_116 = arith.constant 112 : index
    %get3A_117 = tpu.vector_load %arg12[%get3A_116] {strides = array<i32>} : memref<320xf32, #tpu.memory_space<vmem>>, vector<16xf32>,
    %get3A_118 = arith.constant 128 : index
    %get3A_119 = tpu.vector_load %arg10[%get3A_118] {strides = array<i32>} : memref<320xf32, #tpu.memory_space<vmem>>, vector<16xf32>,
    %get3A_120 = arith.constant 128 : index
    %get3A_121 = tpu.vector_load %arg8[%get3A_120] {strides = array<i32>} : memref<320xf32, #tpu.memory_space<vmem>>, vector<16xf32>,
    %sub3A_122 = arith.subf %get3A_119, %get3A_121 : vector<16xf32>
    %get3A_123 = arith.constant 128 : index
    %get3A_124 = tpu.vector_load %arg11[%get3A_123] {strides = array<i32>} : memref<320xf32, #tpu.memory_space<vmem>>, vector<16xf32>,
    %get3A_125 = arith.constant 128 : index
    %get3A_126 = tpu.vector_load %arg9[%get3A_125] {strides = array<i32>} : memref<320xf32, #tpu.memory_space<vmem>>, vector<16xf32>,
    %sub3A_127 = arith.subf %get3A_124, %get3A_126 : vector<16xf32>
    %mul3A_128 = arith.mulf %sub3A_122, %sub3A_127 : vector<16xf32>
    %swap3A_129 = arith.constant 128 : index
    %swap3A_130 = tpu.vector_load %arg13[%swap3A_129] {strides = array<i32>} : memref<320xf32, #tpu.memory_space<vmem>>, vector<16xf32>,
    tpu.vector_store %arg13[%swap3A_129], %mul3A_128 {strides = array<i32>} : memref<320xf32, #tpu.memory_space<vmem>>, vector<16xf32>,
    %get3A_131 = arith.constant 128 : index
    %get3A_132 = tpu.vector_load %arg12[%get3A_131] {strides = array<i32>} : memref<320xf32, #tpu.memory_space<vmem>>, vector<16xf32>,
    %get3A_133 = arith.constant 144 : index
    %get3A_134 = tpu.vector_load %arg10[%get3A_133] {strides = array<i32>} : memref<320xf32, #tpu.memory_space<vmem>>, vector<16xf32>,
    %get3A_135 = arith.constant 144 : index
    %get3A_136 = tpu.vector_load %arg8[%get3A_135] {strides = array<i32>} : memref<320xf32, #tpu.memory_space<vmem>>, vector<16xf32>,
    %sub3A_137 = arith.subf %get3A_134, %get3A_136 : vector<16xf32>
    %get3A_138 = arith.constant 144 : index
    %get3A_139 = tpu.vector_load %arg11[%get3A_138] {strides = array<i32>} : memref<320xf32, #tpu.memory_space<vmem>>, vector<16xf32>,
    %get3A_140 = arith.constant 144 : index
    %get3A_141 = tpu.vector_load %arg9[%get3A_140] {strides = array<i32>} : memref<320xf32, #tpu.memory_space<vmem>>, vector<16xf32>,
    %sub3A_142 = arith.subf %get3A_139, %get3A_141 : vector<16xf32>
    %mul3A_143 = arith.mulf %sub3A_137, %sub3A_142 : vector<16xf32>
    %swap3A_144 = arith.constant 144 : index
    %swap3A_145 = tpu.vector_load %arg13[%swap3A_144] {strides = array<i32>} : memref<320xf32, #tpu.memory_space<vmem>>, vector<16xf32>,
    tpu.vector_store %arg13[%swap3A_144], %mul3A_143 {strides = array<i32>} : memref<320xf32, #tpu.memory_space<vmem>>, vector<16xf32>,
    %get3A_146 = arith.constant 144 : index
    %get3A_147 = tpu.vector_load %arg12[%get3A_146] {strides = array<i32>} : memref<320xf32, #tpu.memory_space<vmem>>, vector<16xf32>,
    %get3A_148 = arith.constant 160 : index
    %get3A_149 = tpu.vector_load %arg10[%get3A_148] {strides = array<i32>} : memref<320xf32, #tpu.memory_space<vmem>>, vector<16xf32>,
    %get3A_150 = arith.constant 160 : index
    %get3A_151 = tpu.vector_load %arg8[%get3A_150] {strides = array<i32>} : memref<320xf32, #tpu.memory_space<vmem>>, vector<16xf32>,
    %sub3A_152 = arith.subf %get3A_149, %get3A_151 : vector<16xf32>
    %get3A_153 = arith.constant 160 : index
    %get3A_154 = tpu.vector_load %arg11[%get3A_153] {strides = array<i32>} : memref<320xf32, #tpu.memory_space<vmem>>, vector<16xf32>,
    %get3A_155 = arith.constant 160 : index
    %get3A_156 = tpu.vector_load %arg9[%get3A_155] {strides = array<i32>} : memref<320xf32, #tpu.memory_space<vmem>>, vector<16xf32>,
    %sub3A_157 = arith.subf %get3A_154, %get3A_156 : vector<16xf32>
    %mul3A_158 = arith.mulf %sub3A_152, %sub3A_157 : vector<16xf32>
    %swap3A_159 = arith.constant 160 : index
    %swap3A_160 = tpu.vector_load %arg13[%swap3A_159] {strides = array<i32>} : memref<320xf32, #tpu.memory_space<vmem>>, vector<16xf32>,
    tpu.vector_store %arg13[%swap3A_159], %mul3A_158 {strides = array<i32>} : memref<320xf32, #tpu.memory_space<vmem>>, vector<16xf32>,
    %get3A_161 = arith.constant 160 : index
    %get3A_162 = tpu.vector_load %arg12[%get3A_161] {strides = array<i32>} : memref<320xf32, #tpu.memory_space<vmem>>, vector<16xf32>,
    %get3A_163 = arith.constant 176 : index
    %get3A_164 = tpu.vector_load %arg10[%get3A_163] {strides = array<i32>} : memref<320xf32, #tpu.memory_space<vmem>>, vector<16xf32>,
    %get3A_165 = arith.constant 176 : index
    %get3A_166 = tpu.vector_load %arg8[%get3A_165] {strides = array<i32>} : memref<320xf32, #tpu.memory_space<vmem>>, vector<16xf32>,
    %sub3A_167 = arith.subf %get3A_164, %get3A_166 : vector<16xf32>
    %get3A_168 = arith.constant 176 : index
    %get3A_169 = tpu.vector_load %arg11[%get3A_168] {strides = array<i32>} : memref<320xf32, #tpu.memory_space<vmem>>, vector<16xf32>,
    %get3A_170 = arith.constant 176 : index
    %get3A_171 = tpu.vector_load %arg9[%get3A_170] {strides = array<i32>} : memref<320xf32, #tpu.memory_space<vmem>>, vector<16xf32>,
    %sub3A_172 = arith.subf %get3A_169, %get3A_171 : vector<16xf32>
    %mul3A_173 = arith.mulf %sub3A_167, %sub3A_172 : vector<16xf32>
    %swap3A_174 = arith.constant 176 : index
    %swap3A_175 = tpu.vector_load %arg13[%swap3A_174] {strides = array<i32>} : memref<320xf32, #tpu.memory_space<vmem>>, vector<16xf32>,
    tpu.vector_store %arg13[%swap3A_174], %mul3A_173 {strides = array<i32>} : memref<320xf32, #tpu.memory_space<vmem>>, vector<16xf32>,
    %get3A_176 = arith.constant 176 : index
    %get3A_177 = tpu.vector_load %arg12[%get3A_176] {strides = array<i32>} : memref<320xf32, #tpu.memory_space<vmem>>, vector<16xf32>,
    %get3A_178 = arith.constant 192 : index
    %get3A_179 = tpu.vector_load %arg10[%get3A_178] {strides = array<i32>} : memref<320xf32, #tpu.memory_space<vmem>>, vector<16xf32>,
    %get3A_180 = arith.constant 192 : index
    %get3A_181 = tpu.vector_load %arg8[%get3A_180] {strides = array<i32>} : memref<320xf32, #tpu.memory_space<vmem>>, vector<16xf32>,
    %sub3A_182 = arith.subf %get3A_179, %get3A_181 : vector<16xf32>
    %get3A_183 = arith.constant 192 : index
    %get3A_184 = tpu.vector_load %arg11[%get3A_183] {strides = array<i32>} : memref<320xf32, #tpu.memory_space<vmem>>, vector<16xf32>,
    %get3A_185 = arith.constant 192 : index
    %get3A_186 = tpu.vector_load %arg9[%get3A_185] {strides = array<i32>} : memref<320xf32, #tpu.memory_space<vmem>>, vector<16xf32>,
    %sub3A_187 = arith.subf %get3A_184, %get3A_186 : vector<16xf32>
    %mul3A_188 = arith.mulf %sub3A_182, %sub3A_187 : vector<16xf32>
    %swap3A_189 = arith.constant 192 : index
    %swap3A_190 = tpu.vector_load %arg13[%swap3A_189] {strides = array<i32>} : memref<320xf32, #tpu.memory_space<vmem>>, vector<16xf32>,
    tpu.vector_store %arg13[%swap3A_189], %mul3A_188 {strides = array<i32>} : memref<320xf32, #tpu.memory_space<vmem>>, vector<16xf32>,
    %get3A_191 = arith.constant 192 : index
    %get3A_192 = tpu.vector_load %arg12[%get3A_191] {strides = array<i32>} : memref<320xf32, #tpu.memory_space<vmem>>, vector<16xf32>,
    %get3A_193 = arith.constant 208 : index
    %get3A_194 = tpu.vector_load %arg10[%get3A_193] {strides = array<i32>} : memref<320xf32, #tpu.memory_space<vmem>>, vector<16xf32>,
    %get3A_195 = arith.constant 208 : index
    %get3A_196 = tpu.vector_load %arg8[%get3A_195] {strides = array<i32>} : memref<320xf32, #tpu.memory_space<vmem>>, vector<16xf32>,
    %sub3A_197 = arith.subf %get3A_194, %get3A_196 : vector<16xf32>
    %get3A_198 = arith.constant 208 : index
    %get3A_199 = tpu.vector_load %arg11[%get3A_198] {strides = array<i32>} : memref<320xf32, #tpu.memory_space<vmem>>, vector<16xf32>,
    %get3A_200 = arith.constant 208 : index
    %get3A_201 = tpu.vector_load %arg9[%get3A_200] {strides = array<i32>} : memref<320xf32, #tpu.memory_space<vmem>>, vector<16xf32>,
    %sub3A_202 = arith.subf %get3A_199, %get3A_201 : vector<16xf32>
    %mul3A_203 = arith.mulf %sub3A_197, %sub3A_202 : vector<16xf32>
    %swap3A_204 = arith.constant 208 : index
    %swap3A_205 = tpu.vector_load %arg13[%swap3A_204] {strides = array<i32>} : memref<320xf32, #tpu.memory_space<vmem>>, vector<16xf32>,
    tpu.vector_store %arg13[%swap3A_204], %mul3A_203 {strides = array<i32>} : memref<320xf32, #tpu.memory_space<vmem>>, vector<16xf32>,
    %get3A_206 = arith.constant 208 : index
    %get3A_207 = tpu.vector_load %arg12[%get3A_206] {strides = array<i32>} : memref<320xf32, #tpu.memory_space<vmem>>, vector<16xf32>,
    %get3A_208 = arith.constant 224 : index
    %get3A_209 = tpu.vector_load %arg10[%get3A_208] {strides = array<i32>} : memref<320xf32, #tpu.memory_space<vmem>>, vector<16xf32>,
    %get3A_210 = arith.constant 224 : index
    %get3A_211 = tpu.vector_load %arg8[%get3A_210] {strides = array<i32>} : memref<320xf32, #tpu.memory_space<vmem>>, vector<16xf32>,
    %sub3A_212 = arith.subf %get3A_209, %get3A_211 : vector<16xf32>
    %get3A_213 = arith.constant 224 : index
    %get3A_214 = tpu.vector_load %arg11[%get3A_213] {strides = array<i32>} : memref<320xf32, #tpu.memory_space<vmem>>, vector<16xf32>,
    %get3A_215 = arith.constant 224 : index
    %get3A_216 = tpu.vector_load %arg9[%get3A_215] {strides = array<i32>} : memref<320xf32, #tpu.memory_space<vmem>>, vector<16xf32>,
    %sub3A_217 = arith.subf %get3A_214, %get3A_216 : vector<16xf32>
    %mul3A_218 = arith.mulf %sub3A_212, %sub3A_217 : vector<16xf32>
    %swap3A_219 = arith.constant 224 : index
    %swap3A_220 = tpu.vector_load %arg13[%swap3A_219] {strides = array<i32>} : memref<320xf32, #tpu.memory_space<vmem>>, vector<16xf32>,
    tpu.vector_store %arg13[%swap3A_219], %mul3A_218 {strides = array<i32>} : memref<320xf32, #tpu.memory_space<vmem>>, vector<16xf32>,
    %get3A_221 = arith.constant 224 : index
    %get3A_222 = tpu.vector_load %arg12[%get3A_221] {strides = array<i32>} : memref<320xf32, #tpu.memory_space<vmem>>, vector<16xf32>,
    %get3A_223 = arith.constant 240 : index
    %get3A_224 = tpu.vector_load %arg10[%get3A_223] {strides = array<i32>} : memref<320xf32, #tpu.memory_space<vmem>>, vector<16xf32>,
    %get3A_225 = arith.constant 240 : index
    %get3A_226 = tpu.vector_load %arg8[%get3A_225] {strides = array<i32>} : memref<320xf32, #tpu.memory_space<vmem>>, vector<16xf32>,
    %sub3A_227 = arith.subf %get3A_224, %get3A_226 : vector<16xf32>
    %get3A_228 = arith.constant 240 : index
    %get3A_229 = tpu.vector_load %arg11[%get3A_228] {strides = array<i32>} : memref<320xf32, #tpu.memory_space<vmem>>, vector<16xf32>,
    %get3A_230 = arith.constant 240 : index
    %get3A_231 = tpu.vector_load %arg9[%get3A_230] {strides = array<i32>} : memref<320xf32, #tpu.memory_space<vmem>>, vector<16xf32>,
    %sub3A_232 = arith.subf %get3A_229, %get3A_231 : vector<16xf32>
    %mul3A_233 = arith.mulf %sub3A_227, %sub3A_232 : vector<16xf32>
    %swap3A_234 = arith.constant 240 : index
    %swap3A_235 = tpu.vector_load %arg13[%swap3A_234] {strides = array<i32>} : memref<320xf32, #tpu.memory_space<vmem>>, vector<16xf32>,
    tpu.vector_store %arg13[%swap3A_234], %mul3A_233 {strides = array<i32>} : memref<320xf32, #tpu.memory_space<vmem>>, vector<16xf32>,
    %get3A_236 = arith.constant 240 : index
    %get3A_237 = tpu.vector_load %arg12[%get3A_236] {strides = array<i32>} : memref<320xf32, #tpu.memory_space<vmem>>, vector<16xf32>,
    %get3A_238 = arith.constant 256 : index
    %get3A_239 = tpu.vector_load %arg10[%get3A_238] {strides = array<i32>} : memref<320xf32, #tpu.memory_space<vmem>>, vector<16xf32>,
    %get3A_240 = arith.constant 256 : index
    %get3A_241 = tpu.vector_load %arg8[%get3A_240] {strides = array<i32>} : memref<320xf32, #tpu.memory_space<vmem>>, vector<16xf32>,
    %sub3A_242 = arith.subf %get3A_239, %get3A_241 : vector<16xf32>
    %get3A_243 = arith.constant 256 : index
    %get3A_244 = tpu.vector_load %arg11[%get3A_243] {strides = array<i32>} : memref<320xf32, #tpu.memory_space<vmem>>, vector<16xf32>,
    %get3A_245 = arith.constant 256 : index
    %get3A_246 = tpu.vector_load %arg9[%get3A_245] {strides = array<i32>} : memref<320xf32, #tpu.memory_space<vmem>>, vector<16xf32>,
    %sub3A_247 = arith.subf %get3A_244, %get3A_246 : vector<16xf32>
    %mul3A_248 = arith.mulf %sub3A_242, %sub3A_247 : vector<16xf32>
    %swap3A_249 = arith.constant 256 : index
    %swap3A_250 = tpu.vector_load %arg13[%swap3A_249] {strides = array<i32>} : memref<320xf32, #tpu.memory_space<vmem>>, vector<16xf32>,
    tpu.vector_store %arg13[%swap3A_249], %mul3A_248 {strides = array<i32>} : memref<320xf32, #tpu.memory_space<vmem>>, vector<16xf32>,
    %get3A_251 = arith.constant 256 : index
    %get3A_252 = tpu.vector_load %arg12[%get3A_251] {strides = array<i32>} : memref<320xf32, #tpu.memory_space<vmem>>, vector<16xf32>,
    %get3A_253 = arith.constant 272 : index
    %get3A_254 = tpu.vector_load %arg10[%get3A_253] {strides = array<i32>} : memref<320xf32, #tpu.memory_space<vmem>>, vector<16xf32>,
    %get3A_255 = arith.constant 272 : index
    %get3A_256 = tpu.vector_load %arg8[%get3A_255] {strides = array<i32>} : memref<320xf32, #tpu.memory_space<vmem>>, vector<16xf32>,
    %sub3A_257 = arith.subf %get3A_254, %get3A_256 : vector<16xf32>
    %get3A_258 = arith.constant 272 : index
    %get3A_259 = tpu.vector_load %arg11[%get3A_258] {strides = array<i32>} : memref<320xf32, #tpu.memory_space<vmem>>, vector<16xf32>,
    %get3A_260 = arith.constant 272 : index
    %get3A_261 = tpu.vector_load %arg9[%get3A_260] {strides = array<i32>} : memref<320xf32, #tpu.memory_space<vmem>>, vector<16xf32>,
    %sub3A_262 = arith.subf %get3A_259, %get3A_261 : vector<16xf32>
    %mul3A_263 = arith.mulf %sub3A_257, %sub3A_262 : vector<16xf32>
    %swap3A_264 = arith.constant 272 : index
    %swap3A_265 = tpu.vector_load %arg13[%swap3A_264] {strides = array<i32>} : memref<320xf32, #tpu.memory_space<vmem>>, vector<16xf32>,
    tpu.vector_store %arg13[%swap3A_264], %mul3A_263 {strides = array<i32>} : memref<320xf32, #tpu.memory_space<vmem>>, vector<16xf32>,
    %get3A_266 = arith.constant 272 : index
    %get3A_267 = tpu.vector_load %arg12[%get3A_266] {strides = array<i32>} : memref<320xf32, #tpu.memory_space<vmem>>, vector<16xf32>,
    %get3A_268 = arith.constant 288 : index
    %get3A_269 = tpu.vector_load %arg10[%get3A_268] {strides = array<i32>} : memref<320xf32, #tpu.memory_space<vmem>>, vector<16xf32>,
    %get3A_270 = arith.constant 288 : index
    %get3A_271 = tpu.vector_load %arg8[%get3A_270] {strides = array<i32>} : memref<320xf32, #tpu.memory_space<vmem>>, vector<16xf32>,
    %sub3A_272 = arith.subf %get3A_269, %get3A_271 : vector<16xf32>
    %get3A_273 = arith.constant 288 : index
    %get3A_274 = tpu.vector_load %arg11[%get3A_273] {strides = array<i32>} : memref<320xf32, #tpu.memory_space<vmem>>, vector<16xf32>,
    %get3A_275 = arith.constant 288 : index
    %get3A_276 = tpu.vector_load %arg9[%get3A_275] {strides = array<i32>} : memref<320xf32, #tpu.memory_space<vmem>>, vector<16xf32>,
    %sub3A_277 = arith.subf %get3A_274, %get3A_276 : vector<16xf32>
    %mul3A_278 = arith.mulf %sub3A_272, %sub3A_277 : vector<16xf32>
    %swap3A_279 = arith.constant 288 : index
    %swap3A_280 = tpu.vector_load %arg13[%swap3A_279] {strides = array<i32>} : memref<320xf32, #tpu.memory_space<vmem>>, vector<16xf32>,
    tpu.vector_store %arg13[%swap3A_279], %mul3A_278 {strides = array<i32>} : memref<320xf32, #tpu.memory_space<vmem>>, vector<16xf32>,
    %get3A_281 = arith.constant 288 : index
    %get3A_282 = tpu.vector_load %arg12[%get3A_281] {strides = array<i32>} : memref<320xf32, #tpu.memory_space<vmem>>, vector<16xf32>,
    %get3A_283 = arith.constant 304 : index
    %get3A_284 = tpu.vector_load %arg10[%get3A_283] {strides = array<i32>} : memref<320xf32, #tpu.memory_space<vmem>>, vector<16xf32>,
    %get3A_285 = arith.constant 304 : index
    %get3A_286 = tpu.vector_load %arg8[%get3A_285] {strides = array<i32>} : memref<320xf32, #tpu.memory_space<vmem>>, vector<16xf32>,
    %sub3A_287 = arith.subf %get3A_284, %get3A_286 : vector<16xf32>
    %get3A_288 = arith.constant 304 : index
    %get3A_289 = tpu.vector_load %arg11[%get3A_288] {strides = array<i32>} : memref<320xf32, #tpu.memory_space<vmem>>, vector<16xf32>,
    %get3A_290 = arith.constant 304 : index
    %get3A_291 = tpu.vector_load %arg9[%get3A_290] {strides = array<i32>} : memref<320xf32, #tpu.memory_space<vmem>>, vector<16xf32>,
    %sub3A_292 = arith.subf %get3A_289, %get3A_291 : vector<16xf32>
    %mul3A_293 = arith.mulf %sub3A_287, %sub3A_292 : vector<16xf32>
    %swap3A_294 = arith.constant 304 : index
    %swap3A_295 = tpu.vector_load %arg13[%swap3A_294] {strides = array<i32>} : memref<320xf32, #tpu.memory_space<vmem>>, vector<16xf32>,
    tpu.vector_store %arg13[%swap3A_294], %mul3A_293 {strides = array<i32>} : memref<320xf32, #tpu.memory_space<vmem>>, vector<16xf32>,
    %get3A_296 = arith.constant 304 : index
    %get3A_297 = tpu.vector_load %arg12[%get3A_296] {strides = array<i32>} : memref<320xf32, #tpu.memory_space<vmem>>, vector<16xf32>,
    %xor3A = arith.constant 1 : i32
    %xor3A_298 = vector.broadcast %xor3A : i32 to vector<16xi32>
    %xor3A_299 = arith.xori %iota3A, %xor3A_298 : vector<16xi32>
    %xor3A_300 = arith.constant 2 : i32
    %xor3A_301 = vector.broadcast %xor3A_300 : i32 to vector<16xi32>
    %xor3A_302 = arith.xori %iota3A, %xor3A_301 : vector<16xi32>
    %xor3A_303 = arith.constant 4 : i32
    %xor3A_304 = vector.broadcast %xor3A_303 : i32 to vector<16xi32>
    %xor3A_305 = arith.xori %iota3A, %xor3A_304 : vector<16xi32>
    %xor3A_306 = arith.constant 8 : i32
    %xor3A_307 = vector.broadcast %xor3A_306 : i32 to vector<16xi32>
    %xor3A_308 = arith.xori %iota3A, %xor3A_307 : vector<16xi32>
    %broadcast_in_dim3A = arith.constant 0.000000e+00 : f32
    %broadcast_in_dim3A_309 = vector.broadcast %broadcast_in_dim3A : f32 to vector<16xf32>
    %scan3A = arith.constant 0 : i32
    %scan3A_310 = arith.constant 100 : i32
    %scan3A_311 = arith.addi %scan3A, %scan3A_310 : i32
    %scan3A_312 = arith.constant 1 : i32
    %scan3A_313:25 = scf.for %scan3A_319 = %scan3A to %scan3A_311 step %scan3A_312 iter_args(%scan3A_320 = %broadcast_in_dim3A_309, %scan3A_321 = %broadcast_in_dim3A_309, %scan3A_322 = %broadcast_in_dim3A_309, %scan3A_323 = %broadcast_in_dim3A_309, %scan3A_324 = %broadcast_in_dim3A_309, %scan3A_325 = %get3A_12, %scan3A_326 = %get3A_27, %scan3A_327 = %get3A_42, %scan3A_328 = %get3A_57, %scan3A_329 = %get3A_72, %scan3A_330 = %get3A_87, %scan3A_331 = %get3A_102, %scan3A_332 = %get3A_117, %scan3A_333 = %get3A_132, %scan3A_334 = %get3A_147, %scan3A_335 = %get3A_162, %scan3A_336 = %get3A_177, %scan3A_337 = %get3A_192, %scan3A_338 = %get3A_207, %scan3A_339 = %get3A_222, %scan3A_340 = %get3A_237, %scan3A_341 = %get3A_252, %scan3A_342 = %get3A_267, %scan3A_343 = %get3A_282, %scan3A_344 = %get3A_297) -> (vector<16xf32>, vector<16xf32>, vector<16xf32>, vector<16xf32>, vector<16xf32>, vector<16xf32>, vector<16xf32>, vector<16xf32>, vector<16xf32>, vector<16xf32>, vector<16xf32>, vector<16xf32>, vector<16xf32>, vector<16xf32>, vector<16xf32>, vector<16xf32>, vector<16xf32>, vector<16xf32>, vector<16xf32>, vector<16xf32>, vector<16xf32>, vector<16xf32>, vector<16xf32>, vector<16xf32>, vector<16xf32>)  : i32 {
      %broadcast_in_dim3A_345 = arith.constant -2.000000e+00 : f32
      %broadcast_in_dim3A_346 = vector.broadcast %broadcast_in_dim3A_345 : f32 to vector<16xf32>
      %broadcast_in_dim3A_347 = arith.constant 0 : i32
      %broadcast_in_dim3A_348 = vector.broadcast %broadcast_in_dim3A_347 : i32 to vector<16xi32>
      %add3A = vector.broadcast %mul3A_0 : i32 to vector<16xi32>
      %add3A_349 = arith.addi %add3A, %iota3A : vector<16xi32>
      %get3A_350 = arith.constant 0 : index
      %get3A_351 = tpu.vector_load %arg8[%get3A_350] {strides = array<i32>} : memref<320xf32, #tpu.memory_space<vmem>>, vector<16xf32>,
      %max3A = arith.maximumf %scan3A_320, %get3A_351 : vector<16xf32>
      %get3A_352 = arith.constant 0 : index
      %get3A_353 = tpu.vector_load %arg9[%get3A_352] {strides = array<i32>} : memref<320xf32, #tpu.memory_space<vmem>>, vector<16xf32>,
      %max3A_354 = arith.maximumf %scan3A_321, %get3A_353 : vector<16xf32>
      %get3A_355 = arith.constant 0 : index
      %get3A_356 = tpu.vector_load %arg10[%get3A_355] {strides = array<i32>} : memref<320xf32, #tpu.memory_space<vmem>>, vector<16xf32>,
      %min3A = arith.minimumf %scan3A_322, %get3A_356 : vector<16xf32>
      %get3A_357 = arith.constant 0 : index
      %get3A_358 = tpu.vector_load %arg11[%get3A_357] {strides = array<i32>} : memref<320xf32, #tpu.memory_space<vmem>>, vector<16xf32>,
      %min3A_359 = arith.minimumf %scan3A_323, %get3A_358 : vector<16xf32>
      %sub3A_360 = arith.subf %min3A, %max3A : vector<16xf32>
      %max3A_361 = arith.constant 0.000000e+00 : f32
      %max3A_362 = vector.broadcast %max3A_361 : f32 to vector<16xf32>
      %max3A_363 = arith.maximumf %sub3A_360, %max3A_362 : vector<16xf32>
      %sub3A_364 = arith.subf %min3A_359, %max3A_354 : vector<16xf32>
      %max3A_365 = arith.constant 0.000000e+00 : f32
      %max3A_366 = vector.broadcast %max3A_365 : f32 to vector<16xf32>
      %max3A_367 = arith.maximumf %sub3A_364, %max3A_366 : vector<16xf32>
      %mul3A_368 = arith.mulf %max3A_363, %max3A_367 : vector<16xf32>
      %get3A_369 = arith.constant 0 : index
      %get3A_370 = tpu.vector_load %arg13[%get3A_369] {strides = array<i32>} : memref<320xf32, #tpu.memory_space<vmem>>, vector<16xf32>,
      %add3A_371 = arith.addf %scan3A_324, %get3A_370 : vector<16xf32>
      %sub3A_372 = arith.subf %add3A_371, %mul3A_368 : vector<16xf32>
      %add3A_373 = arith.addf %mul3A_368, %mul3A_368 : vector<16xf32>
      %gt3A = arith.cmpf ogt, %add3A_373, %sub3A_372 : vector<16xf32>
      %jit3A = arith.constant -1.000000e+00 : f32
      %broadcast_in_dim3A_374 = vector.broadcast %jit3A : f32 to vector<16xf32>
      %select_n3A = arith.select %gt3A, %broadcast_in_dim3A_374, %scan3A_325 : vector<16xi1>, vector<16xf32>
      %gt3A_375 = arith.cmpf ogt, %select_n3A, %broadcast_in_dim3A_346 : vector<16xf32>
      %select_n3A_376 = arith.select %gt3A_375, %select_n3A, %broadcast_in_dim3A_346 : vector<16xi1>, vector<16xf32>
      %select_n3A_377 = arith.select %gt3A_375, %add3A_349, %broadcast_in_dim3A_348 : vector<16xi1>, vector<16xi32>
      %add3A_378 = arith.constant 16 : i32
      %add3A_379 = vector.broadcast %add3A_378 : i32 to vector<16xi32>
      %add3A_380 = arith.addi %add3A_349, %add3A_379 : vector<16xi32>
      %get3A_381 = arith.constant 16 : index
      %get3A_382 = tpu.vector_load %arg8[%get3A_381] {strides = array<i32>} : memref<320xf32, #tpu.memory_space<vmem>>, vector<16xf32>,
      %max3A_383 = arith.maximumf %scan3A_320, %get3A_382 : vector<16xf32>
      %get3A_384 = arith.constant 16 : index
      %get3A_385 = tpu.vector_load %arg9[%get3A_384] {strides = array<i32>} : memref<320xf32, #tpu.memory_space<vmem>>, vector<16xf32>,
      %max3A_386 = arith.maximumf %scan3A_321, %get3A_385 : vector<16xf32>
      %get3A_387 = arith.constant 16 : index
      %get3A_388 = tpu.vector_load %arg10[%get3A_387] {strides = array<i32>} : memref<320xf32, #tpu.memory_space<vmem>>, vector<16xf32>,
      %min3A_389 = arith.minimumf %scan3A_322, %get3A_388 : vector<16xf32>
      %get3A_390 = arith.constant 16 : index
      %get3A_391 = tpu.vector_load %arg11[%get3A_390] {strides = array<i32>} : memref<320xf32, #tpu.memory_space<vmem>>, vector<16xf32>,
      %min3A_392 = arith.minimumf %scan3A_323, %get3A_391 : vector<16xf32>
      %sub3A_393 = arith.subf %min3A_389, %max3A_383 : vector<16xf32>
      %max3A_394 = arith.constant 0.000000e+00 : f32
      %max3A_395 = vector.broadcast %max3A_394 : f32 to vector<16xf32>
      %max3A_396 = arith.maximumf %sub3A_393, %max3A_395 : vector<16xf32>
      %sub3A_397 = arith.subf %min3A_392, %max3A_386 : vector<16xf32>
      %max3A_398 = arith.constant 0.000000e+00 : f32
      %max3A_399 = vector.broadcast %max3A_398 : f32 to vector<16xf32>
      %max3A_400 = arith.maximumf %sub3A_397, %max3A_399 : vector<16xf32>
      %mul3A_401 = arith.mulf %max3A_396, %max3A_400 : vector<16xf32>
      %get3A_402 = arith.constant 16 : index
      %get3A_403 = tpu.vector_load %arg13[%get3A_402] {strides = array<i32>} : memref<320xf32, #tpu.memory_space<vmem>>, vector<16xf32>,
      %add3A_404 = arith.addf %scan3A_324, %get3A_403 : vector<16xf32>
      %sub3A_405 = arith.subf %add3A_404, %mul3A_401 : vector<16xf32>
      %add3A_406 = arith.addf %mul3A_401, %mul3A_401 : vector<16xf32>
      %gt3A_407 = arith.cmpf ogt, %add3A_406, %sub3A_405 : vector<16xf32>
      %jit3A_408 = arith.constant -1.000000e+00 : f32
      %broadcast_in_dim3A_409 = vector.broadcast %jit3A_408 : f32 to vector<16xf32>
      %select_n3A_410 = arith.select %gt3A_407, %broadcast_in_dim3A_409, %scan3A_326 : vector<16xi1>, vector<16xf32>
      %gt3A_411 = arith.cmpf ogt, %select_n3A_410, %select_n3A_376 : vector<16xf32>
      %select_n3A_412 = arith.select %gt3A_411, %select_n3A_410, %select_n3A_376 : vector<16xi1>, vector<16xf32>
      %select_n3A_413 = arith.select %gt3A_411, %add3A_380, %select_n3A_377 : vector<16xi1>, vector<16xi32>
      %add3A_414 = arith.constant 16 : i32
      %add3A_415 = vector.broadcast %add3A_414 : i32 to vector<16xi32>
      %add3A_416 = arith.addi %add3A_380, %add3A_415 : vector<16xi32>
      %get3A_417 = arith.constant 32 : index
      %get3A_418 = tpu.vector_load %arg8[%get3A_417] {strides = array<i32>} : memref<320xf32, #tpu.memory_space<vmem>>, vector<16xf32>,
      %max3A_419 = arith.maximumf %scan3A_320, %get3A_418 : vector<16xf32>
      %get3A_420 = arith.constant 32 : index
      %get3A_421 = tpu.vector_load %arg9[%get3A_420] {strides = array<i32>} : memref<320xf32, #tpu.memory_space<vmem>>, vector<16xf32>,
      %max3A_422 = arith.maximumf %scan3A_321, %get3A_421 : vector<16xf32>
      %get3A_423 = arith.constant 32 : index
      %get3A_424 = tpu.vector_load %arg10[%get3A_423] {strides = array<i32>} : memref<320xf32, #tpu.memory_space<vmem>>, vector<16xf32>,
      %min3A_425 = arith.minimumf %scan3A_322, %get3A_424 : vector<16xf32>
      %get3A_426 = arith.constant 32 : index
      %get3A_427 = tpu.vector_load %arg11[%get3A_426] {strides = array<i32>} : memref<320xf32, #tpu.memory_space<vmem>>, vector<16xf32>,
      %min3A_428 = arith.minimumf %scan3A_323, %get3A_427 : vector<16xf32>
      %sub3A_429 = arith.subf %min3A_425, %max3A_419 : vector<16xf32>
      %max3A_430 = arith.constant 0.000000e+00 : f32
      %max3A_431 = vector.broadcast %max3A_430 : f32 to vector<16xf32>
      %max3A_432 = arith.maximumf %sub3A_429, %max3A_431 : vector<16xf32>
      %sub3A_433 = arith.subf %min3A_428, %max3A_422 : vector<16xf32>
      %max3A_434 = arith.constant 0.000000e+00 : f32
      %max3A_435 = vector.broadcast %max3A_434 : f32 to vector<16xf32>
      %max3A_436 = arith.maximumf %sub3A_433, %max3A_435 : vector<16xf32>
      %mul3A_437 = arith.mulf %max3A_432, %max3A_436 : vector<16xf32>
      %get3A_438 = arith.constant 32 : index
      %get3A_439 = tpu.vector_load %arg13[%get3A_438] {strides = array<i32>} : memref<320xf32, #tpu.memory_space<vmem>>, vector<16xf32>,
      %add3A_440 = arith.addf %scan3A_324, %get3A_439 : vector<16xf32>
      %sub3A_441 = arith.subf %add3A_440, %mul3A_437 : vector<16xf32>
      %add3A_442 = arith.addf %mul3A_437, %mul3A_437 : vector<16xf32>
      %gt3A_443 = arith.cmpf ogt, %add3A_442, %sub3A_441 : vector<16xf32>
      %jit3A_444 = arith.constant -1.000000e+00 : f32
      %broadcast_in_dim3A_445 = vector.broadcast %jit3A_444 : f32 to vector<16xf32>
      %select_n3A_446 = arith.select %gt3A_443, %broadcast_in_dim3A_445, %scan3A_327 : vector<16xi1>, vector<16xf32>
      %gt3A_447 = arith.cmpf ogt, %select_n3A_446, %select_n3A_412 : vector<16xf32>
      %select_n3A_448 = arith.select %gt3A_447, %select_n3A_446, %select_n3A_412 : vector<16xi1>, vector<16xf32>
      %select_n3A_449 = arith.select %gt3A_447, %add3A_416, %select_n3A_413 : vector<16xi1>, vector<16xi32>
      %add3A_450 = arith.constant 16 : i32
      %add3A_451 = vector.broadcast %add3A_450 : i32 to vector<16xi32>
      %add3A_452 = arith.addi %add3A_416, %add3A_451 : vector<16xi32>
      %get3A_453 = arith.constant 48 : index
      %get3A_454 = tpu.vector_load %arg8[%get3A_453] {strides = array<i32>} : memref<320xf32, #tpu.memory_space<vmem>>, vector<16xf32>,
      %max3A_455 = arith.maximumf %scan3A_320, %get3A_454 : vector<16xf32>
      %get3A_456 = arith.constant 48 : index
      %get3A_457 = tpu.vector_load %arg9[%get3A_456] {strides = array<i32>} : memref<320xf32, #tpu.memory_space<vmem>>, vector<16xf32>,
      %max3A_458 = arith.maximumf %scan3A_321, %get3A_457 : vector<16xf32>
      %get3A_459 = arith.constant 48 : index
      %get3A_460 = tpu.vector_load %arg10[%get3A_459] {strides = array<i32>} : memref<320xf32, #tpu.memory_space<vmem>>, vector<16xf32>,
      %min3A_461 = arith.minimumf %scan3A_322, %get3A_460 : vector<16xf32>
      %get3A_462 = arith.constant 48 : index
      %get3A_463 = tpu.vector_load %arg11[%get3A_462] {strides = array<i32>} : memref<320xf32, #tpu.memory_space<vmem>>, vector<16xf32>,
      %min3A_464 = arith.minimumf %scan3A_323, %get3A_463 : vector<16xf32>
      %sub3A_465 = arith.subf %min3A_461, %max3A_455 : vector<16xf32>
      %max3A_466 = arith.constant 0.000000e+00 : f32
      %max3A_467 = vector.broadcast %max3A_466 : f32 to vector<16xf32>
      %max3A_468 = arith.maximumf %sub3A_465, %max3A_467 : vector<16xf32>
      %sub3A_469 = arith.subf %min3A_464, %max3A_458 : vector<16xf32>
      %max3A_470 = arith.constant 0.000000e+00 : f32
      %max3A_471 = vector.broadcast %max3A_470 : f32 to vector<16xf32>
      %max3A_472 = arith.maximumf %sub3A_469, %max3A_471 : vector<16xf32>
      %mul3A_473 = arith.mulf %max3A_468, %max3A_472 : vector<16xf32>
      %get3A_474 = arith.constant 48 : index
      %get3A_475 = tpu.vector_load %arg13[%get3A_474] {strides = array<i32>} : memref<320xf32, #tpu.memory_space<vmem>>, vector<16xf32>,
      %add3A_476 = arith.addf %scan3A_324, %get3A_475 : vector<16xf32>
      %sub3A_477 = arith.subf %add3A_476, %mul3A_473 : vector<16xf32>
      %add3A_478 = arith.addf %mul3A_473, %mul3A_473 : vector<16xf32>
      %gt3A_479 = arith.cmpf ogt, %add3A_478, %sub3A_477 : vector<16xf32>
      %jit3A_480 = arith.constant -1.000000e+00 : f32
      %broadcast_in_dim3A_481 = vector.broadcast %jit3A_480 : f32 to vector<16xf32>
      %select_n3A_482 = arith.select %gt3A_479, %broadcast_in_dim3A_481, %scan3A_328 : vector<16xi1>, vector<16xf32>
      %gt3A_483 = arith.cmpf ogt, %select_n3A_482, %select_n3A_448 : vector<16xf32>
      %select_n3A_484 = arith.select %gt3A_483, %select_n3A_482, %select_n3A_448 : vector<16xi1>, vector<16xf32>
      %select_n3A_485 = arith.select %gt3A_483, %add3A_452, %select_n3A_449 : vector<16xi1>, vector<16xi32>
      %add3A_486 = arith.constant 16 : i32
      %add3A_487 = vector.broadcast %add3A_486 : i32 to vector<16xi32>
      %add3A_488 = arith.addi %add3A_452, %add3A_487 : vector<16xi32>
      %get3A_489 = arith.constant 64 : index
      %get3A_490 = tpu.vector_load %arg8[%get3A_489] {strides = array<i32>} : memref<320xf32, #tpu.memory_space<vmem>>, vector<16xf32>,
      %max3A_491 = arith.maximumf %scan3A_320, %get3A_490 : vector<16xf32>
      %get3A_492 = arith.constant 64 : index
      %get3A_493 = tpu.vector_load %arg9[%get3A_492] {strides = array<i32>} : memref<320xf32, #tpu.memory_space<vmem>>, vector<16xf32>,
      %max3A_494 = arith.maximumf %scan3A_321, %get3A_493 : vector<16xf32>
      %get3A_495 = arith.constant 64 : index
      %get3A_496 = tpu.vector_load %arg10[%get3A_495] {strides = array<i32>} : memref<320xf32, #tpu.memory_space<vmem>>, vector<16xf32>,
      %min3A_497 = arith.minimumf %scan3A_322, %get3A_496 : vector<16xf32>
      %get3A_498 = arith.constant 64 : index
      %get3A_499 = tpu.vector_load %arg11[%get3A_498] {strides = array<i32>} : memref<320xf32, #tpu.memory_space<vmem>>, vector<16xf32>,
      %min3A_500 = arith.minimumf %scan3A_323, %get3A_499 : vector<16xf32>
      %sub3A_501 = arith.subf %min3A_497, %max3A_491 : vector<16xf32>
      %max3A_502 = arith.constant 0.000000e+00 : f32
      %max3A_503 = vector.broadcast %max3A_502 : f32 to vector<16xf32>
      %max3A_504 = arith.maximumf %sub3A_501, %max3A_503 : vector<16xf32>
      %sub3A_505 = arith.subf %min3A_500, %max3A_494 : vector<16xf32>
      %max3A_506 = arith.constant 0.000000e+00 : f32
      %max3A_507 = vector.broadcast %max3A_506 : f32 to vector<16xf32>
      %max3A_508 = arith.maximumf %sub3A_505, %max3A_507 : vector<16xf32>
      %mul3A_509 = arith.mulf %max3A_504, %max3A_508 : vector<16xf32>
      %get3A_510 = arith.constant 64 : index
      %get3A_511 = tpu.vector_load %arg13[%get3A_510] {strides = array<i32>} : memref<320xf32, #tpu.memory_space<vmem>>, vector<16xf32>,
      %add3A_512 = arith.addf %scan3A_324, %get3A_511 : vector<16xf32>
      %sub3A_513 = arith.subf %add3A_512, %mul3A_509 : vector<16xf32>
      %add3A_514 = arith.addf %mul3A_509, %mul3A_509 : vector<16xf32>
      %gt3A_515 = arith.cmpf ogt, %add3A_514, %sub3A_513 : vector<16xf32>
      %jit3A_516 = arith.constant -1.000000e+00 : f32
      %broadcast_in_dim3A_517 = vector.broadcast %jit3A_516 : f32 to vector<16xf32>
      %select_n3A_518 = arith.select %gt3A_515, %broadcast_in_dim3A_517, %scan3A_329 : vector<16xi1>, vector<16xf32>
      %gt3A_519 = arith.cmpf ogt, %select_n3A_518, %select_n3A_484 : vector<16xf32>
      %select_n3A_520 = arith.select %gt3A_519, %select_n3A_518, %select_n3A_484 : vector<16xi1>, vector<16xf32>
      %select_n3A_521 = arith.select %gt3A_519, %add3A_488, %select_n3A_485 : vector<16xi1>, vector<16xi32>
      %add3A_522 = arith.constant 16 : i32
      %add3A_523 = vector.broadcast %add3A_522 : i32 to vector<16xi32>
      %add3A_524 = arith.addi %add3A_488, %add3A_523 : vector<16xi32>
      %get3A_525 = arith.constant 80 : index
      %get3A_526 = tpu.vector_load %arg8[%get3A_525] {strides = array<i32>} : memref<320xf32, #tpu.memory_space<vmem>>, vector<16xf32>,
      %max3A_527 = arith.maximumf %scan3A_320, %get3A_526 : vector<16xf32>
      %get3A_528 = arith.constant 80 : index
      %get3A_529 = tpu.vector_load %arg9[%get3A_528] {strides = array<i32>} : memref<320xf32, #tpu.memory_space<vmem>>, vector<16xf32>,
      %max3A_530 = arith.maximumf %scan3A_321, %get3A_529 : vector<16xf32>
      %get3A_531 = arith.constant 80 : index
      %get3A_532 = tpu.vector_load %arg10[%get3A_531] {strides = array<i32>} : memref<320xf32, #tpu.memory_space<vmem>>, vector<16xf32>,
      %min3A_533 = arith.minimumf %scan3A_322, %get3A_532 : vector<16xf32>
      %get3A_534 = arith.constant 80 : index
      %get3A_535 = tpu.vector_load %arg11[%get3A_534] {strides = array<i32>} : memref<320xf32, #tpu.memory_space<vmem>>, vector<16xf32>,
      %min3A_536 = arith.minimumf %scan3A_323, %get3A_535 : vector<16xf32>
      %sub3A_537 = arith.subf %min3A_533, %max3A_527 : vector<16xf32>
      %max3A_538 = arith.constant 0.000000e+00 : f32
      %max3A_539 = vector.broadcast %max3A_538 : f32 to vector<16xf32>
      %max3A_540 = arith.maximumf %sub3A_537, %max3A_539 : vector<16xf32>
      %sub3A_541 = arith.subf %min3A_536, %max3A_530 : vector<16xf32>
      %max3A_542 = arith.constant 0.000000e+00 : f32
      %max3A_543 = vector.broadcast %max3A_542 : f32 to vector<16xf32>
      %max3A_544 = arith.maximumf %sub3A_541, %max3A_543 : vector<16xf32>
      %mul3A_545 = arith.mulf %max3A_540, %max3A_544 : vector<16xf32>
      %get3A_546 = arith.constant 80 : index
      %get3A_547 = tpu.vector_load %arg13[%get3A_546] {strides = array<i32>} : memref<320xf32, #tpu.memory_space<vmem>>, vector<16xf32>,
      %add3A_548 = arith.addf %scan3A_324, %get3A_547 : vector<16xf32>
      %sub3A_549 = arith.subf %add3A_548, %mul3A_545 : vector<16xf32>
      %add3A_550 = arith.addf %mul3A_545, %mul3A_545 : vector<16xf32>
      %gt3A_551 = arith.cmpf ogt, %add3A_550, %sub3A_549 : vector<16xf32>
      %jit3A_552 = arith.constant -1.000000e+00 : f32
      %broadcast_in_dim3A_553 = vector.broadcast %jit3A_552 : f32 to vector<16xf32>
      %select_n3A_554 = arith.select %gt3A_551, %broadcast_in_dim3A_553, %scan3A_330 : vector<16xi1>, vector<16xf32>
      %gt3A_555 = arith.cmpf ogt, %select_n3A_554, %select_n3A_520 : vector<16xf32>
      %select_n3A_556 = arith.select %gt3A_555, %select_n3A_554, %select_n3A_520 : vector<16xi1>, vector<16xf32>
      %select_n3A_557 = arith.select %gt3A_555, %add3A_524, %select_n3A_521 : vector<16xi1>, vector<16xi32>
      %add3A_558 = arith.constant 16 : i32
      %add3A_559 = vector.broadcast %add3A_558 : i32 to vector<16xi32>
      %add3A_560 = arith.addi %add3A_524, %add3A_559 : vector<16xi32>
      %get3A_561 = arith.constant 96 : index
      %get3A_562 = tpu.vector_load %arg8[%get3A_561] {strides = array<i32>} : memref<320xf32, #tpu.memory_space<vmem>>, vector<16xf32>,
      %max3A_563 = arith.maximumf %scan3A_320, %get3A_562 : vector<16xf32>
      %get3A_564 = arith.constant 96 : index
      %get3A_565 = tpu.vector_load %arg9[%get3A_564] {strides = array<i32>} : memref<320xf32, #tpu.memory_space<vmem>>, vector<16xf32>,
      %max3A_566 = arith.maximumf %scan3A_321, %get3A_565 : vector<16xf32>
      %get3A_567 = arith.constant 96 : index
      %get3A_568 = tpu.vector_load %arg10[%get3A_567] {strides = array<i32>} : memref<320xf32, #tpu.memory_space<vmem>>, vector<16xf32>,
      %min3A_569 = arith.minimumf %scan3A_322, %get3A_568 : vector<16xf32>
      %get3A_570 = arith.constant 96 : index
      %get3A_571 = tpu.vector_load %arg11[%get3A_570] {strides = array<i32>} : memref<320xf32, #tpu.memory_space<vmem>>, vector<16xf32>,
      %min3A_572 = arith.minimumf %scan3A_323, %get3A_571 : vector<16xf32>
      %sub3A_573 = arith.subf %min3A_569, %max3A_563 : vector<16xf32>
      %max3A_574 = arith.constant 0.000000e+00 : f32
      %max3A_575 = vector.broadcast %max3A_574 : f32 to vector<16xf32>
      %max3A_576 = arith.maximumf %sub3A_573, %max3A_575 : vector<16xf32>
      %sub3A_577 = arith.subf %min3A_572, %max3A_566 : vector<16xf32>
      %max3A_578 = arith.constant 0.000000e+00 : f32
      %max3A_579 = vector.broadcast %max3A_578 : f32 to vector<16xf32>
      %max3A_580 = arith.maximumf %sub3A_577, %max3A_579 : vector<16xf32>
      %mul3A_581 = arith.mulf %max3A_576, %max3A_580 : vector<16xf32>
      %get3A_582 = arith.constant 96 : index
      %get3A_583 = tpu.vector_load %arg13[%get3A_582] {strides = array<i32>} : memref<320xf32, #tpu.memory_space<vmem>>, vector<16xf32>,
      %add3A_584 = arith.addf %scan3A_324, %get3A_583 : vector<16xf32>
      %sub3A_585 = arith.subf %add3A_584, %mul3A_581 : vector<16xf32>
      %add3A_586 = arith.addf %mul3A_581, %mul3A_581 : vector<16xf32>
      %gt3A_587 = arith.cmpf ogt, %add3A_586, %sub3A_585 : vector<16xf32>
      %jit3A_588 = arith.constant -1.000000e+00 : f32
      %broadcast_in_dim3A_589 = vector.broadcast %jit3A_588 : f32 to vector<16xf32>
      %select_n3A_590 = arith.select %gt3A_587, %broadcast_in_dim3A_589, %scan3A_331 : vector<16xi1>, vector<16xf32>
      %gt3A_591 = arith.cmpf ogt, %select_n3A_590, %select_n3A_556 : vector<16xf32>
      %select_n3A_592 = arith.select %gt3A_591, %select_n3A_590, %select_n3A_556 : vector<16xi1>, vector<16xf32>
      %select_n3A_593 = arith.select %gt3A_591, %add3A_560, %select_n3A_557 : vector<16xi1>, vector<16xi32>
      %add3A_594 = arith.constant 16 : i32
      %add3A_595 = vector.broadcast %add3A_594 : i32 to vector<16xi32>
      %add3A_596 = arith.addi %add3A_560, %add3A_595 : vector<16xi32>
      %get3A_597 = arith.constant 112 : index
      %get3A_598 = tpu.vector_load %arg8[%get3A_597] {strides = array<i32>} : memref<320xf32, #tpu.memory_space<vmem>>, vector<16xf32>,
      %max3A_599 = arith.maximumf %scan3A_320, %get3A_598 : vector<16xf32>
      %get3A_600 = arith.constant 112 : index
      %get3A_601 = tpu.vector_load %arg9[%get3A_600] {strides = array<i32>} : memref<320xf32, #tpu.memory_space<vmem>>, vector<16xf32>,
      %max3A_602 = arith.maximumf %scan3A_321, %get3A_601 : vector<16xf32>
      %get3A_603 = arith.constant 112 : index
      %get3A_604 = tpu.vector_load %arg10[%get3A_603] {strides = array<i32>} : memref<320xf32, #tpu.memory_space<vmem>>, vector<16xf32>,
      %min3A_605 = arith.minimumf %scan3A_322, %get3A_604 : vector<16xf32>
      %get3A_606 = arith.constant 112 : index
      %get3A_607 = tpu.vector_load %arg11[%get3A_606] {strides = array<i32>} : memref<320xf32, #tpu.memory_space<vmem>>, vector<16xf32>,
      %min3A_608 = arith.minimumf %scan3A_323, %get3A_607 : vector<16xf32>
      %sub3A_609 = arith.subf %min3A_605, %max3A_599 : vector<16xf32>
      %max3A_610 = arith.constant 0.000000e+00 : f32
      %max3A_611 = vector.broadcast %max3A_610 : f32 to vector<16xf32>
      %max3A_612 = arith.maximumf %sub3A_609, %max3A_611 : vector<16xf32>
      %sub3A_613 = arith.subf %min3A_608, %max3A_602 : vector<16xf32>
      %max3A_614 = arith.constant 0.000000e+00 : f32
      %max3A_615 = vector.broadcast %max3A_614 : f32 to vector<16xf32>
      %max3A_616 = arith.maximumf %sub3A_613, %max3A_615 : vector<16xf32>
      %mul3A_617 = arith.mulf %max3A_612, %max3A_616 : vector<16xf32>
      %get3A_618 = arith.constant 112 : index
      %get3A_619 = tpu.vector_load %arg13[%get3A_618] {strides = array<i32>} : memref<320xf32, #tpu.memory_space<vmem>>, vector<16xf32>,
      %add3A_620 = arith.addf %scan3A_324, %get3A_619 : vector<16xf32>
      %sub3A_621 = arith.subf %add3A_620, %mul3A_617 : vector<16xf32>
      %add3A_622 = arith.addf %mul3A_617, %mul3A_617 : vector<16xf32>
      %gt3A_623 = arith.cmpf ogt, %add3A_622, %sub3A_621 : vector<16xf32>
      %jit3A_624 = arith.constant -1.000000e+00 : f32
      %broadcast_in_dim3A_625 = vector.broadcast %jit3A_624 : f32 to vector<16xf32>
      %select_n3A_626 = arith.select %gt3A_623, %broadcast_in_dim3A_625, %scan3A_332 : vector<16xi1>, vector<16xf32>
      %gt3A_627 = arith.cmpf ogt, %select_n3A_626, %select_n3A_592 : vector<16xf32>
      %select_n3A_628 = arith.select %gt3A_627, %select_n3A_626, %select_n3A_592 : vector<16xi1>, vector<16xf32>
      %select_n3A_629 = arith.select %gt3A_627, %add3A_596, %select_n3A_593 : vector<16xi1>, vector<16xi32>
      %add3A_630 = arith.constant 16 : i32
      %add3A_631 = vector.broadcast %add3A_630 : i32 to vector<16xi32>
      %add3A_632 = arith.addi %add3A_596, %add3A_631 : vector<16xi32>
      %get3A_633 = arith.constant 128 : index
      %get3A_634 = tpu.vector_load %arg8[%get3A_633] {strides = array<i32>} : memref<320xf32, #tpu.memory_space<vmem>>, vector<16xf32>,
      %max3A_635 = arith.maximumf %scan3A_320, %get3A_634 : vector<16xf32>
      %get3A_636 = arith.constant 128 : index
      %get3A_637 = tpu.vector_load %arg9[%get3A_636] {strides = array<i32>} : memref<320xf32, #tpu.memory_space<vmem>>, vector<16xf32>,
      %max3A_638 = arith.maximumf %scan3A_321, %get3A_637 : vector<16xf32>
      %get3A_639 = arith.constant 128 : index
      %get3A_640 = tpu.vector_load %arg10[%get3A_639] {strides = array<i32>} : memref<320xf32, #tpu.memory_space<vmem>>, vector<16xf32>,
      %min3A_641 = arith.minimumf %scan3A_322, %get3A_640 : vector<16xf32>
      %get3A_642 = arith.constant 128 : index
      %get3A_643 = tpu.vector_load %arg11[%get3A_642] {strides = array<i32>} : memref<320xf32, #tpu.memory_space<vmem>>, vector<16xf32>,
      %min3A_644 = arith.minimumf %scan3A_323, %get3A_643 : vector<16xf32>
      %sub3A_645 = arith.subf %min3A_641, %max3A_635 : vector<16xf32>
      %max3A_646 = arith.constant 0.000000e+00 : f32
      %max3A_647 = vector.broadcast %max3A_646 : f32 to vector<16xf32>
      %max3A_648 = arith.maximumf %sub3A_645, %max3A_647 : vector<16xf32>
      %sub3A_649 = arith.subf %min3A_644, %max3A_638 : vector<16xf32>
      %max3A_650 = arith.constant 0.000000e+00 : f32
      %max3A_651 = vector.broadcast %max3A_650 : f32 to vector<16xf32>
      %max3A_652 = arith.maximumf %sub3A_649, %max3A_651 : vector<16xf32>
      %mul3A_653 = arith.mulf %max3A_648, %max3A_652 : vector<16xf32>
      %get3A_654 = arith.constant 128 : index
      %get3A_655 = tpu.vector_load %arg13[%get3A_654] {strides = array<i32>} : memref<320xf32, #tpu.memory_space<vmem>>, vector<16xf32>,
      %add3A_656 = arith.addf %scan3A_324, %get3A_655 : vector<16xf32>
      %sub3A_657 = arith.subf %add3A_656, %mul3A_653 : vector<16xf32>
      %add3A_658 = arith.addf %mul3A_653, %mul3A_653 : vector<16xf32>
      %gt3A_659 = arith.cmpf ogt, %add3A_658, %sub3A_657 : vector<16xf32>
      %jit3A_660 = arith.constant -1.000000e+00 : f32
      %broadcast_in_dim3A_661 = vector.broadcast %jit3A_660 : f32 to vector<16xf32>
      %select_n3A_662 = arith.select %gt3A_659, %broadcast_in_dim3A_661, %scan3A_333 : vector<16xi1>, vector<16xf32>
      %gt3A_663 = arith.cmpf ogt, %select_n3A_662, %select_n3A_628 : vector<16xf32>
      %select_n3A_664 = arith.select %gt3A_663, %select_n3A_662, %select_n3A_628 : vector<16xi1>, vector<16xf32>
      %select_n3A_665 = arith.select %gt3A_663, %add3A_632, %select_n3A_629 : vector<16xi1>, vector<16xi32>
      %add3A_666 = arith.constant 16 : i32
      %add3A_667 = vector.broadcast %add3A_666 : i32 to vector<16xi32>
      %add3A_668 = arith.addi %add3A_632, %add3A_667 : vector<16xi32>
      %get3A_669 = arith.constant 144 : index
      %get3A_670 = tpu.vector_load %arg8[%get3A_669] {strides = array<i32>} : memref<320xf32, #tpu.memory_space<vmem>>, vector<16xf32>,
      %max3A_671 = arith.maximumf %scan3A_320, %get3A_670 : vector<16xf32>
      %get3A_672 = arith.constant 144 : index
      %get3A_673 = tpu.vector_load %arg9[%get3A_672] {strides = array<i32>} : memref<320xf32, #tpu.memory_space<vmem>>, vector<16xf32>,
      %max3A_674 = arith.maximumf %scan3A_321, %get3A_673 : vector<16xf32>
      %get3A_675 = arith.constant 144 : index
      %get3A_676 = tpu.vector_load %arg10[%get3A_675] {strides = array<i32>} : memref<320xf32, #tpu.memory_space<vmem>>, vector<16xf32>,
      %min3A_677 = arith.minimumf %scan3A_322, %get3A_676 : vector<16xf32>
      %get3A_678 = arith.constant 144 : index
      %get3A_679 = tpu.vector_load %arg11[%get3A_678] {strides = array<i32>} : memref<320xf32, #tpu.memory_space<vmem>>, vector<16xf32>,
      %min3A_680 = arith.minimumf %scan3A_323, %get3A_679 : vector<16xf32>
      %sub3A_681 = arith.subf %min3A_677, %max3A_671 : vector<16xf32>
      %max3A_682 = arith.constant 0.000000e+00 : f32
      %max3A_683 = vector.broadcast %max3A_682 : f32 to vector<16xf32>
      %max3A_684 = arith.maximumf %sub3A_681, %max3A_683 : vector<16xf32>
      %sub3A_685 = arith.subf %min3A_680, %max3A_674 : vector<16xf32>
      %max3A_686 = arith.constant 0.000000e+00 : f32
      %max3A_687 = vector.broadcast %max3A_686 : f32 to vector<16xf32>
      %max3A_688 = arith.maximumf %sub3A_685, %max3A_687 : vector<16xf32>
      %mul3A_689 = arith.mulf %max3A_684, %max3A_688 : vector<16xf32>
      %get3A_690 = arith.constant 144 : index
      %get3A_691 = tpu.vector_load %arg13[%get3A_690] {strides = array<i32>} : memref<320xf32, #tpu.memory_space<vmem>>, vector<16xf32>,
      %add3A_692 = arith.addf %scan3A_324, %get3A_691 : vector<16xf32>
      %sub3A_693 = arith.subf %add3A_692, %mul3A_689 : vector<16xf32>
      %add3A_694 = arith.addf %mul3A_689, %mul3A_689 : vector<16xf32>
      %gt3A_695 = arith.cmpf ogt, %add3A_694, %sub3A_693 : vector<16xf32>
      %jit3A_696 = arith.constant -1.000000e+00 : f32
      %broadcast_in_dim3A_697 = vector.broadcast %jit3A_696 : f32 to vector<16xf32>
      %select_n3A_698 = arith.select %gt3A_695, %broadcast_in_dim3A_697, %scan3A_334 : vector<16xi1>, vector<16xf32>
      %gt3A_699 = arith.cmpf ogt, %select_n3A_698, %select_n3A_664 : vector<16xf32>
      %select_n3A_700 = arith.select %gt3A_699, %select_n3A_698, %select_n3A_664 : vector<16xi1>, vector<16xf32>
      %select_n3A_701 = arith.select %gt3A_699, %add3A_668, %select_n3A_665 : vector<16xi1>, vector<16xi32>
      %add3A_702 = arith.constant 16 : i32
      %add3A_703 = vector.broadcast %add3A_702 : i32 to vector<16xi32>
      %add3A_704 = arith.addi %add3A_668, %add3A_703 : vector<16xi32>
      %get3A_705 = arith.constant 160 : index
      %get3A_706 = tpu.vector_load %arg8[%get3A_705] {strides = array<i32>} : memref<320xf32, #tpu.memory_space<vmem>>, vector<16xf32>,
      %max3A_707 = arith.maximumf %scan3A_320, %get3A_706 : vector<16xf32>
      %get3A_708 = arith.constant 160 : index
      %get3A_709 = tpu.vector_load %arg9[%get3A_708] {strides = array<i32>} : memref<320xf32, #tpu.memory_space<vmem>>, vector<16xf32>,
      %max3A_710 = arith.maximumf %scan3A_321, %get3A_709 : vector<16xf32>
      %get3A_711 = arith.constant 160 : index
      %get3A_712 = tpu.vector_load %arg10[%get3A_711] {strides = array<i32>} : memref<320xf32, #tpu.memory_space<vmem>>, vector<16xf32>,
      %min3A_713 = arith.minimumf %scan3A_322, %get3A_712 : vector<16xf32>
      %get3A_714 = arith.constant 160 : index
      %get3A_715 = tpu.vector_load %arg11[%get3A_714] {strides = array<i32>} : memref<320xf32, #tpu.memory_space<vmem>>, vector<16xf32>,
      %min3A_716 = arith.minimumf %scan3A_323, %get3A_715 : vector<16xf32>
      %sub3A_717 = arith.subf %min3A_713, %max3A_707 : vector<16xf32>
      %max3A_718 = arith.constant 0.000000e+00 : f32
      %max3A_719 = vector.broadcast %max3A_718 : f32 to vector<16xf32>
      %max3A_720 = arith.maximumf %sub3A_717, %max3A_719 : vector<16xf32>
      %sub3A_721 = arith.subf %min3A_716, %max3A_710 : vector<16xf32>
      %max3A_722 = arith.constant 0.000000e+00 : f32
      %max3A_723 = vector.broadcast %max3A_722 : f32 to vector<16xf32>
      %max3A_724 = arith.maximumf %sub3A_721, %max3A_723 : vector<16xf32>
      %mul3A_725 = arith.mulf %max3A_720, %max3A_724 : vector<16xf32>
      %get3A_726 = arith.constant 160 : index
      %get3A_727 = tpu.vector_load %arg13[%get3A_726] {strides = array<i32>} : memref<320xf32, #tpu.memory_space<vmem>>, vector<16xf32>,
      %add3A_728 = arith.addf %scan3A_324, %get3A_727 : vector<16xf32>
      %sub3A_729 = arith.subf %add3A_728, %mul3A_725 : vector<16xf32>
      %add3A_730 = arith.addf %mul3A_725, %mul3A_725 : vector<16xf32>
      %gt3A_731 = arith.cmpf ogt, %add3A_730, %sub3A_729 : vector<16xf32>
      %jit3A_732 = arith.constant -1.000000e+00 : f32
      %broadcast_in_dim3A_733 = vector.broadcast %jit3A_732 : f32 to vector<16xf32>
      %select_n3A_734 = arith.select %gt3A_731, %broadcast_in_dim3A_733, %scan3A_335 : vector<16xi1>, vector<16xf32>
      %gt3A_735 = arith.cmpf ogt, %select_n3A_734, %select_n3A_700 : vector<16xf32>
      %select_n3A_736 = arith.select %gt3A_735, %select_n3A_734, %select_n3A_700 : vector<16xi1>, vector<16xf32>
      %select_n3A_737 = arith.select %gt3A_735, %add3A_704, %select_n3A_701 : vector<16xi1>, vector<16xi32>
      %add3A_738 = arith.constant 16 : i32
      %add3A_739 = vector.broadcast %add3A_738 : i32 to vector<16xi32>
      %add3A_740 = arith.addi %add3A_704, %add3A_739 : vector<16xi32>
      %get3A_741 = arith.constant 176 : index
      %get3A_742 = tpu.vector_load %arg8[%get3A_741] {strides = array<i32>} : memref<320xf32, #tpu.memory_space<vmem>>, vector<16xf32>,
      %max3A_743 = arith.maximumf %scan3A_320, %get3A_742 : vector<16xf32>
      %get3A_744 = arith.constant 176 : index
      %get3A_745 = tpu.vector_load %arg9[%get3A_744] {strides = array<i32>} : memref<320xf32, #tpu.memory_space<vmem>>, vector<16xf32>,
      %max3A_746 = arith.maximumf %scan3A_321, %get3A_745 : vector<16xf32>
      %get3A_747 = arith.constant 176 : index
      %get3A_748 = tpu.vector_load %arg10[%get3A_747] {strides = array<i32>} : memref<320xf32, #tpu.memory_space<vmem>>, vector<16xf32>,
      %min3A_749 = arith.minimumf %scan3A_322, %get3A_748 : vector<16xf32>
      %get3A_750 = arith.constant 176 : index
      %get3A_751 = tpu.vector_load %arg11[%get3A_750] {strides = array<i32>} : memref<320xf32, #tpu.memory_space<vmem>>, vector<16xf32>,
      %min3A_752 = arith.minimumf %scan3A_323, %get3A_751 : vector<16xf32>
      %sub3A_753 = arith.subf %min3A_749, %max3A_743 : vector<16xf32>
      %max3A_754 = arith.constant 0.000000e+00 : f32
      %max3A_755 = vector.broadcast %max3A_754 : f32 to vector<16xf32>
      %max3A_756 = arith.maximumf %sub3A_753, %max3A_755 : vector<16xf32>
      %sub3A_757 = arith.subf %min3A_752, %max3A_746 : vector<16xf32>
      %max3A_758 = arith.constant 0.000000e+00 : f32
      %max3A_759 = vector.broadcast %max3A_758 : f32 to vector<16xf32>
      %max3A_760 = arith.maximumf %sub3A_757, %max3A_759 : vector<16xf32>
      %mul3A_761 = arith.mulf %max3A_756, %max3A_760 : vector<16xf32>
      %get3A_762 = arith.constant 176 : index
      %get3A_763 = tpu.vector_load %arg13[%get3A_762] {strides = array<i32>} : memref<320xf32, #tpu.memory_space<vmem>>, vector<16xf32>,
      %add3A_764 = arith.addf %scan3A_324, %get3A_763 : vector<16xf32>
      %sub3A_765 = arith.subf %add3A_764, %mul3A_761 : vector<16xf32>
      %add3A_766 = arith.addf %mul3A_761, %mul3A_761 : vector<16xf32>
      %gt3A_767 = arith.cmpf ogt, %add3A_766, %sub3A_765 : vector<16xf32>
      %jit3A_768 = arith.constant -1.000000e+00 : f32
      %broadcast_in_dim3A_769 = vector.broadcast %jit3A_768 : f32 to vector<16xf32>
      %select_n3A_770 = arith.select %gt3A_767, %broadcast_in_dim3A_769, %scan3A_336 : vector<16xi1>, vector<16xf32>
      %gt3A_771 = arith.cmpf ogt, %select_n3A_770, %select_n3A_736 : vector<16xf32>
      %select_n3A_772 = arith.select %gt3A_771, %select_n3A_770, %select_n3A_736 : vector<16xi1>, vector<16xf32>
      %select_n3A_773 = arith.select %gt3A_771, %add3A_740, %select_n3A_737 : vector<16xi1>, vector<16xi32>
      %add3A_774 = arith.constant 16 : i32
      %add3A_775 = vector.broadcast %add3A_774 : i32 to vector<16xi32>
      %add3A_776 = arith.addi %add3A_740, %add3A_775 : vector<16xi32>
      %get3A_777 = arith.constant 192 : index
      %get3A_778 = tpu.vector_load %arg8[%get3A_777] {strides = array<i32>} : memref<320xf32, #tpu.memory_space<vmem>>, vector<16xf32>,
      %max3A_779 = arith.maximumf %scan3A_320, %get3A_778 : vector<16xf32>
      %get3A_780 = arith.constant 192 : index
      %get3A_781 = tpu.vector_load %arg9[%get3A_780] {strides = array<i32>} : memref<320xf32, #tpu.memory_space<vmem>>, vector<16xf32>,
      %max3A_782 = arith.maximumf %scan3A_321, %get3A_781 : vector<16xf32>
      %get3A_783 = arith.constant 192 : index
      %get3A_784 = tpu.vector_load %arg10[%get3A_783] {strides = array<i32>} : memref<320xf32, #tpu.memory_space<vmem>>, vector<16xf32>,
      %min3A_785 = arith.minimumf %scan3A_322, %get3A_784 : vector<16xf32>
      %get3A_786 = arith.constant 192 : index
      %get3A_787 = tpu.vector_load %arg11[%get3A_786] {strides = array<i32>} : memref<320xf32, #tpu.memory_space<vmem>>, vector<16xf32>,
      %min3A_788 = arith.minimumf %scan3A_323, %get3A_787 : vector<16xf32>
      %sub3A_789 = arith.subf %min3A_785, %max3A_779 : vector<16xf32>
      %max3A_790 = arith.constant 0.000000e+00 : f32
      %max3A_791 = vector.broadcast %max3A_790 : f32 to vector<16xf32>
      %max3A_792 = arith.maximumf %sub3A_789, %max3A_791 : vector<16xf32>
      %sub3A_793 = arith.subf %min3A_788, %max3A_782 : vector<16xf32>
      %max3A_794 = arith.constant 0.000000e+00 : f32
      %max3A_795 = vector.broadcast %max3A_794 : f32 to vector<16xf32>
      %max3A_796 = arith.maximumf %sub3A_793, %max3A_795 : vector<16xf32>
      %mul3A_797 = arith.mulf %max3A_792, %max3A_796 : vector<16xf32>
      %get3A_798 = arith.constant 192 : index
      %get3A_799 = tpu.vector_load %arg13[%get3A_798] {strides = array<i32>} : memref<320xf32, #tpu.memory_space<vmem>>, vector<16xf32>,
      %add3A_800 = arith.addf %scan3A_324, %get3A_799 : vector<16xf32>
      %sub3A_801 = arith.subf %add3A_800, %mul3A_797 : vector<16xf32>
      %add3A_802 = arith.addf %mul3A_797, %mul3A_797 : vector<16xf32>
      %gt3A_803 = arith.cmpf ogt, %add3A_802, %sub3A_801 : vector<16xf32>
      %jit3A_804 = arith.constant -1.000000e+00 : f32
      %broadcast_in_dim3A_805 = vector.broadcast %jit3A_804 : f32 to vector<16xf32>
      %select_n3A_806 = arith.select %gt3A_803, %broadcast_in_dim3A_805, %scan3A_337 : vector<16xi1>, vector<16xf32>
      %gt3A_807 = arith.cmpf ogt, %select_n3A_806, %select_n3A_772 : vector<16xf32>
      %select_n3A_808 = arith.select %gt3A_807, %select_n3A_806, %select_n3A_772 : vector<16xi1>, vector<16xf32>
      %select_n3A_809 = arith.select %gt3A_807, %add3A_776, %select_n3A_773 : vector<16xi1>, vector<16xi32>
      %add3A_810 = arith.constant 16 : i32
      %add3A_811 = vector.broadcast %add3A_810 : i32 to vector<16xi32>
      %add3A_812 = arith.addi %add3A_776, %add3A_811 : vector<16xi32>
      %get3A_813 = arith.constant 208 : index
      %get3A_814 = tpu.vector_load %arg8[%get3A_813] {strides = array<i32>} : memref<320xf32, #tpu.memory_space<vmem>>, vector<16xf32>,
      %max3A_815 = arith.maximumf %scan3A_320, %get3A_814 : vector<16xf32>
      %get3A_816 = arith.constant 208 : index
      %get3A_817 = tpu.vector_load %arg9[%get3A_816] {strides = array<i32>} : memref<320xf32, #tpu.memory_space<vmem>>, vector<16xf32>,
      %max3A_818 = arith.maximumf %scan3A_321, %get3A_817 : vector<16xf32>
      %get3A_819 = arith.constant 208 : index
      %get3A_820 = tpu.vector_load %arg10[%get3A_819] {strides = array<i32>} : memref<320xf32, #tpu.memory_space<vmem>>, vector<16xf32>,
      %min3A_821 = arith.minimumf %scan3A_322, %get3A_820 : vector<16xf32>
      %get3A_822 = arith.constant 208 : index
      %get3A_823 = tpu.vector_load %arg11[%get3A_822] {strides = array<i32>} : memref<320xf32, #tpu.memory_space<vmem>>, vector<16xf32>,
      %min3A_824 = arith.minimumf %scan3A_323, %get3A_823 : vector<16xf32>
      %sub3A_825 = arith.subf %min3A_821, %max3A_815 : vector<16xf32>
      %max3A_826 = arith.constant 0.000000e+00 : f32
      %max3A_827 = vector.broadcast %max3A_826 : f32 to vector<16xf32>
      %max3A_828 = arith.maximumf %sub3A_825, %max3A_827 : vector<16xf32>
      %sub3A_829 = arith.subf %min3A_824, %max3A_818 : vector<16xf32>
      %max3A_830 = arith.constant 0.000000e+00 : f32
      %max3A_831 = vector.broadcast %max3A_830 : f32 to vector<16xf32>
      %max3A_832 = arith.maximumf %sub3A_829, %max3A_831 : vector<16xf32>
      %mul3A_833 = arith.mulf %max3A_828, %max3A_832 : vector<16xf32>
      %get3A_834 = arith.constant 208 : index
      %get3A_835 = tpu.vector_load %arg13[%get3A_834] {strides = array<i32>} : memref<320xf32, #tpu.memory_space<vmem>>, vector<16xf32>,
      %add3A_836 = arith.addf %scan3A_324, %get3A_835 : vector<16xf32>
      %sub3A_837 = arith.subf %add3A_836, %mul3A_833 : vector<16xf32>
      %add3A_838 = arith.addf %mul3A_833, %mul3A_833 : vector<16xf32>
      %gt3A_839 = arith.cmpf ogt, %add3A_838, %sub3A_837 : vector<16xf32>
      %jit3A_840 = arith.constant -1.000000e+00 : f32
      %broadcast_in_dim3A_841 = vector.broadcast %jit3A_840 : f32 to vector<16xf32>
      %select_n3A_842 = arith.select %gt3A_839, %broadcast_in_dim3A_841, %scan3A_338 : vector<16xi1>, vector<16xf32>
      %gt3A_843 = arith.cmpf ogt, %select_n3A_842, %select_n3A_808 : vector<16xf32>
      %select_n3A_844 = arith.select %gt3A_843, %select_n3A_842, %select_n3A_808 : vector<16xi1>, vector<16xf32>
      %select_n3A_845 = arith.select %gt3A_843, %add3A_812, %select_n3A_809 : vector<16xi1>, vector<16xi32>
      %add3A_846 = arith.constant 16 : i32
      %add3A_847 = vector.broadcast %add3A_846 : i32 to vector<16xi32>
      %add3A_848 = arith.addi %add3A_812, %add3A_847 : vector<16xi32>
      %get3A_849 = arith.constant 224 : index
      %get3A_850 = tpu.vector_load %arg8[%get3A_849] {strides = array<i32>} : memref<320xf32, #tpu.memory_space<vmem>>, vector<16xf32>,
      %max3A_851 = arith.maximumf %scan3A_320, %get3A_850 : vector<16xf32>
      %get3A_852 = arith.constant 224 : index
      %get3A_853 = tpu.vector_load %arg9[%get3A_852] {strides = array<i32>} : memref<320xf32, #tpu.memory_space<vmem>>, vector<16xf32>,
      %max3A_854 = arith.maximumf %scan3A_321, %get3A_853 : vector<16xf32>
      %get3A_855 = arith.constant 224 : index
      %get3A_856 = tpu.vector_load %arg10[%get3A_855] {strides = array<i32>} : memref<320xf32, #tpu.memory_space<vmem>>, vector<16xf32>,
      %min3A_857 = arith.minimumf %scan3A_322, %get3A_856 : vector<16xf32>
      %get3A_858 = arith.constant 224 : index
      %get3A_859 = tpu.vector_load %arg11[%get3A_858] {strides = array<i32>} : memref<320xf32, #tpu.memory_space<vmem>>, vector<16xf32>,
      %min3A_860 = arith.minimumf %scan3A_323, %get3A_859 : vector<16xf32>
      %sub3A_861 = arith.subf %min3A_857, %max3A_851 : vector<16xf32>
      %max3A_862 = arith.constant 0.000000e+00 : f32
      %max3A_863 = vector.broadcast %max3A_862 : f32 to vector<16xf32>
      %max3A_864 = arith.maximumf %sub3A_861, %max3A_863 : vector<16xf32>
      %sub3A_865 = arith.subf %min3A_860, %max3A_854 : vector<16xf32>
      %max3A_866 = arith.constant 0.000000e+00 : f32
      %max3A_867 = vector.broadcast %max3A_866 : f32 to vector<16xf32>
      %max3A_868 = arith.maximumf %sub3A_865, %max3A_867 : vector<16xf32>
      %mul3A_869 = arith.mulf %max3A_864, %max3A_868 : vector<16xf32>
      %get3A_870 = arith.constant 224 : index
      %get3A_871 = tpu.vector_load %arg13[%get3A_870] {strides = array<i32>} : memref<320xf32, #tpu.memory_space<vmem>>, vector<16xf32>,
      %add3A_872 = arith.addf %scan3A_324, %get3A_871 : vector<16xf32>
      %sub3A_873 = arith.subf %add3A_872, %mul3A_869 : vector<16xf32>
      %add3A_874 = arith.addf %mul3A_869, %mul3A_869 : vector<16xf32>
      %gt3A_875 = arith.cmpf ogt, %add3A_874, %sub3A_873 : vector<16xf32>
      %jit3A_876 = arith.constant -1.000000e+00 : f32
      %broadcast_in_dim3A_877 = vector.broadcast %jit3A_876 : f32 to vector<16xf32>
      %select_n3A_878 = arith.select %gt3A_875, %broadcast_in_dim3A_877, %scan3A_339 : vector<16xi1>, vector<16xf32>
      %gt3A_879 = arith.cmpf ogt, %select_n3A_878, %select_n3A_844 : vector<16xf32>
      %select_n3A_880 = arith.select %gt3A_879, %select_n3A_878, %select_n3A_844 : vector<16xi1>, vector<16xf32>
      %select_n3A_881 = arith.select %gt3A_879, %add3A_848, %select_n3A_845 : vector<16xi1>, vector<16xi32>
      %add3A_882 = arith.constant 16 : i32
      %add3A_883 = vector.broadcast %add3A_882 : i32 to vector<16xi32>
      %add3A_884 = arith.addi %add3A_848, %add3A_883 : vector<16xi32>
      %get3A_885 = arith.constant 240 : index
      %get3A_886 = tpu.vector_load %arg8[%get3A_885] {strides = array<i32>} : memref<320xf32, #tpu.memory_space<vmem>>, vector<16xf32>,
      %max3A_887 = arith.maximumf %scan3A_320, %get3A_886 : vector<16xf32>
      %get3A_888 = arith.constant 240 : index
      %get3A_889 = tpu.vector_load %arg9[%get3A_888] {strides = array<i32>} : memref<320xf32, #tpu.memory_space<vmem>>, vector<16xf32>,
      %max3A_890 = arith.maximumf %scan3A_321, %get3A_889 : vector<16xf32>
      %get3A_891 = arith.constant 240 : index
      %get3A_892 = tpu.vector_load %arg10[%get3A_891] {strides = array<i32>} : memref<320xf32, #tpu.memory_space<vmem>>, vector<16xf32>,
      %min3A_893 = arith.minimumf %scan3A_322, %get3A_892 : vector<16xf32>
      %get3A_894 = arith.constant 240 : index
      %get3A_895 = tpu.vector_load %arg11[%get3A_894] {strides = array<i32>} : memref<320xf32, #tpu.memory_space<vmem>>, vector<16xf32>,
      %min3A_896 = arith.minimumf %scan3A_323, %get3A_895 : vector<16xf32>
      %sub3A_897 = arith.subf %min3A_893, %max3A_887 : vector<16xf32>
      %max3A_898 = arith.constant 0.000000e+00 : f32
      %max3A_899 = vector.broadcast %max3A_898 : f32 to vector<16xf32>
      %max3A_900 = arith.maximumf %sub3A_897, %max3A_899 : vector<16xf32>
      %sub3A_901 = arith.subf %min3A_896, %max3A_890 : vector<16xf32>
      %max3A_902 = arith.constant 0.000000e+00 : f32
      %max3A_903 = vector.broadcast %max3A_902 : f32 to vector<16xf32>
      %max3A_904 = arith.maximumf %sub3A_901, %max3A_903 : vector<16xf32>
      %mul3A_905 = arith.mulf %max3A_900, %max3A_904 : vector<16xf32>
      %get3A_906 = arith.constant 240 : index
      %get3A_907 = tpu.vector_load %arg13[%get3A_906] {strides = array<i32>} : memref<320xf32, #tpu.memory_space<vmem>>, vector<16xf32>,
      %add3A_908 = arith.addf %scan3A_324, %get3A_907 : vector<16xf32>
      %sub3A_909 = arith.subf %add3A_908, %mul3A_905 : vector<16xf32>
      %add3A_910 = arith.addf %mul3A_905, %mul3A_905 : vector<16xf32>
      %gt3A_911 = arith.cmpf ogt, %add3A_910, %sub3A_909 : vector<16xf32>
      %jit3A_912 = arith.constant -1.000000e+00 : f32
      %broadcast_in_dim3A_913 = vector.broadcast %jit3A_912 : f32 to vector<16xf32>
      %select_n3A_914 = arith.select %gt3A_911, %broadcast_in_dim3A_913, %scan3A_340 : vector<16xi1>, vector<16xf32>
      %gt3A_915 = arith.cmpf ogt, %select_n3A_914, %select_n3A_880 : vector<16xf32>
      %select_n3A_916 = arith.select %gt3A_915, %select_n3A_914, %select_n3A_880 : vector<16xi1>, vector<16xf32>
      %select_n3A_917 = arith.select %gt3A_915, %add3A_884, %select_n3A_881 : vector<16xi1>, vector<16xi32>
      %add3A_918 = arith.constant 16 : i32
      %add3A_919 = vector.broadcast %add3A_918 : i32 to vector<16xi32>
      %add3A_920 = arith.addi %add3A_884, %add3A_919 : vector<16xi32>
      %get3A_921 = arith.constant 256 : index
      %get3A_922 = tpu.vector_load %arg8[%get3A_921] {strides = array<i32>} : memref<320xf32, #tpu.memory_space<vmem>>, vector<16xf32>,
      %max3A_923 = arith.maximumf %scan3A_320, %get3A_922 : vector<16xf32>
      %get3A_924 = arith.constant 256 : index
      %get3A_925 = tpu.vector_load %arg9[%get3A_924] {strides = array<i32>} : memref<320xf32, #tpu.memory_space<vmem>>, vector<16xf32>,
      %max3A_926 = arith.maximumf %scan3A_321, %get3A_925 : vector<16xf32>
      %get3A_927 = arith.constant 256 : index
      %get3A_928 = tpu.vector_load %arg10[%get3A_927] {strides = array<i32>} : memref<320xf32, #tpu.memory_space<vmem>>, vector<16xf32>,
      %min3A_929 = arith.minimumf %scan3A_322, %get3A_928 : vector<16xf32>
      %get3A_930 = arith.constant 256 : index
      %get3A_931 = tpu.vector_load %arg11[%get3A_930] {strides = array<i32>} : memref<320xf32, #tpu.memory_space<vmem>>, vector<16xf32>,
      %min3A_932 = arith.minimumf %scan3A_323, %get3A_931 : vector<16xf32>
      %sub3A_933 = arith.subf %min3A_929, %max3A_923 : vector<16xf32>
      %max3A_934 = arith.constant 0.000000e+00 : f32
      %max3A_935 = vector.broadcast %max3A_934 : f32 to vector<16xf32>
      %max3A_936 = arith.maximumf %sub3A_933, %max3A_935 : vector<16xf32>
      %sub3A_937 = arith.subf %min3A_932, %max3A_926 : vector<16xf32>
      %max3A_938 = arith.constant 0.000000e+00 : f32
      %max3A_939 = vector.broadcast %max3A_938 : f32 to vector<16xf32>
      %max3A_940 = arith.maximumf %sub3A_937, %max3A_939 : vector<16xf32>
      %mul3A_941 = arith.mulf %max3A_936, %max3A_940 : vector<16xf32>
      %get3A_942 = arith.constant 256 : index
      %get3A_943 = tpu.vector_load %arg13[%get3A_942] {strides = array<i32>} : memref<320xf32, #tpu.memory_space<vmem>>, vector<16xf32>,
      %add3A_944 = arith.addf %scan3A_324, %get3A_943 : vector<16xf32>
      %sub3A_945 = arith.subf %add3A_944, %mul3A_941 : vector<16xf32>
      %add3A_946 = arith.addf %mul3A_941, %mul3A_941 : vector<16xf32>
      %gt3A_947 = arith.cmpf ogt, %add3A_946, %sub3A_945 : vector<16xf32>
      %jit3A_948 = arith.constant -1.000000e+00 : f32
      %broadcast_in_dim3A_949 = vector.broadcast %jit3A_948 : f32 to vector<16xf32>
      %select_n3A_950 = arith.select %gt3A_947, %broadcast_in_dim3A_949, %scan3A_341 : vector<16xi1>, vector<16xf32>
      %gt3A_951 = arith.cmpf ogt, %select_n3A_950, %select_n3A_916 : vector<16xf32>
      %select_n3A_952 = arith.select %gt3A_951, %select_n3A_950, %select_n3A_916 : vector<16xi1>, vector<16xf32>
      %select_n3A_953 = arith.select %gt3A_951, %add3A_920, %select_n3A_917 : vector<16xi1>, vector<16xi32>
      %add3A_954 = arith.constant 16 : i32
      %add3A_955 = vector.broadcast %add3A_954 : i32 to vector<16xi32>
      %add3A_956 = arith.addi %add3A_920, %add3A_955 : vector<16xi32>
      %get3A_957 = arith.constant 272 : index
      %get3A_958 = tpu.vector_load %arg8[%get3A_957] {strides = array<i32>} : memref<320xf32, #tpu.memory_space<vmem>>, vector<16xf32>,
      %max3A_959 = arith.maximumf %scan3A_320, %get3A_958 : vector<16xf32>
      %get3A_960 = arith.constant 272 : index
      %get3A_961 = tpu.vector_load %arg9[%get3A_960] {strides = array<i32>} : memref<320xf32, #tpu.memory_space<vmem>>, vector<16xf32>,
      %max3A_962 = arith.maximumf %scan3A_321, %get3A_961 : vector<16xf32>
      %get3A_963 = arith.constant 272 : index
      %get3A_964 = tpu.vector_load %arg10[%get3A_963] {strides = array<i32>} : memref<320xf32, #tpu.memory_space<vmem>>, vector<16xf32>,
      %min3A_965 = arith.minimumf %scan3A_322, %get3A_964 : vector<16xf32>
      %get3A_966 = arith.constant 272 : index
      %get3A_967 = tpu.vector_load %arg11[%get3A_966] {strides = array<i32>} : memref<320xf32, #tpu.memory_space<vmem>>, vector<16xf32>,
      %min3A_968 = arith.minimumf %scan3A_323, %get3A_967 : vector<16xf32>
      %sub3A_969 = arith.subf %min3A_965, %max3A_959 : vector<16xf32>
      %max3A_970 = arith.constant 0.000000e+00 : f32
      %max3A_971 = vector.broadcast %max3A_970 : f32 to vector<16xf32>
      %max3A_972 = arith.maximumf %sub3A_969, %max3A_971 : vector<16xf32>
      %sub3A_973 = arith.subf %min3A_968, %max3A_962 : vector<16xf32>
      %max3A_974 = arith.constant 0.000000e+00 : f32
      %max3A_975 = vector.broadcast %max3A_974 : f32 to vector<16xf32>
      %max3A_976 = arith.maximumf %sub3A_973, %max3A_975 : vector<16xf32>
      %mul3A_977 = arith.mulf %max3A_972, %max3A_976 : vector<16xf32>
      %get3A_978 = arith.constant 272 : index
      %get3A_979 = tpu.vector_load %arg13[%get3A_978] {strides = array<i32>} : memref<320xf32, #tpu.memory_space<vmem>>, vector<16xf32>,
      %add3A_980 = arith.addf %scan3A_324, %get3A_979 : vector<16xf32>
      %sub3A_981 = arith.subf %add3A_980, %mul3A_977 : vector<16xf32>
      %add3A_982 = arith.addf %mul3A_977, %mul3A_977 : vector<16xf32>
      %gt3A_983 = arith.cmpf ogt, %add3A_982, %sub3A_981 : vector<16xf32>
      %jit3A_984 = arith.constant -1.000000e+00 : f32
      %broadcast_in_dim3A_985 = vector.broadcast %jit3A_984 : f32 to vector<16xf32>
      %select_n3A_986 = arith.select %gt3A_983, %broadcast_in_dim3A_985, %scan3A_342 : vector<16xi1>, vector<16xf32>
      %gt3A_987 = arith.cmpf ogt, %select_n3A_986, %select_n3A_952 : vector<16xf32>
      %select_n3A_988 = arith.select %gt3A_987, %select_n3A_986, %select_n3A_952 : vector<16xi1>, vector<16xf32>
      %select_n3A_989 = arith.select %gt3A_987, %add3A_956, %select_n3A_953 : vector<16xi1>, vector<16xi32>
      %add3A_990 = arith.constant 16 : i32
      %add3A_991 = vector.broadcast %add3A_990 : i32 to vector<16xi32>
      %add3A_992 = arith.addi %add3A_956, %add3A_991 : vector<16xi32>
      %get3A_993 = arith.constant 288 : index
      %get3A_994 = tpu.vector_load %arg8[%get3A_993] {strides = array<i32>} : memref<320xf32, #tpu.memory_space<vmem>>, vector<16xf32>,
      %max3A_995 = arith.maximumf %scan3A_320, %get3A_994 : vector<16xf32>
      %get3A_996 = arith.constant 288 : index
      %get3A_997 = tpu.vector_load %arg9[%get3A_996] {strides = array<i32>} : memref<320xf32, #tpu.memory_space<vmem>>, vector<16xf32>,
      %max3A_998 = arith.maximumf %scan3A_321, %get3A_997 : vector<16xf32>
      %get3A_999 = arith.constant 288 : index
      %get3A_1000 = tpu.vector_load %arg10[%get3A_999] {strides = array<i32>} : memref<320xf32, #tpu.memory_space<vmem>>, vector<16xf32>,
      %min3A_1001 = arith.minimumf %scan3A_322, %get3A_1000 : vector<16xf32>
      %get3A_1002 = arith.constant 288 : index
      %get3A_1003 = tpu.vector_load %arg11[%get3A_1002] {strides = array<i32>} : memref<320xf32, #tpu.memory_space<vmem>>, vector<16xf32>,
      %min3A_1004 = arith.minimumf %scan3A_323, %get3A_1003 : vector<16xf32>
      %sub3A_1005 = arith.subf %min3A_1001, %max3A_995 : vector<16xf32>
      %max3A_1006 = arith.constant 0.000000e+00 : f32
      %max3A_1007 = vector.broadcast %max3A_1006 : f32 to vector<16xf32>
      %max3A_1008 = arith.maximumf %sub3A_1005, %max3A_1007 : vector<16xf32>
      %sub3A_1009 = arith.subf %min3A_1004, %max3A_998 : vector<16xf32>
      %max3A_1010 = arith.constant 0.000000e+00 : f32
      %max3A_1011 = vector.broadcast %max3A_1010 : f32 to vector<16xf32>
      %max3A_1012 = arith.maximumf %sub3A_1009, %max3A_1011 : vector<16xf32>
      %mul3A_1013 = arith.mulf %max3A_1008, %max3A_1012 : vector<16xf32>
      %get3A_1014 = arith.constant 288 : index
      %get3A_1015 = tpu.vector_load %arg13[%get3A_1014] {strides = array<i32>} : memref<320xf32, #tpu.memory_space<vmem>>, vector<16xf32>,
      %add3A_1016 = arith.addf %scan3A_324, %get3A_1015 : vector<16xf32>
      %sub3A_1017 = arith.subf %add3A_1016, %mul3A_1013 : vector<16xf32>
      %add3A_1018 = arith.addf %mul3A_1013, %mul3A_1013 : vector<16xf32>
      %gt3A_1019 = arith.cmpf ogt, %add3A_1018, %sub3A_1017 : vector<16xf32>
      %jit3A_1020 = arith.constant -1.000000e+00 : f32
      %broadcast_in_dim3A_1021 = vector.broadcast %jit3A_1020 : f32 to vector<16xf32>
      %select_n3A_1022 = arith.select %gt3A_1019, %broadcast_in_dim3A_1021, %scan3A_343 : vector<16xi1>, vector<16xf32>
      %gt3A_1023 = arith.cmpf ogt, %select_n3A_1022, %select_n3A_988 : vector<16xf32>
      %select_n3A_1024 = arith.select %gt3A_1023, %select_n3A_1022, %select_n3A_988 : vector<16xi1>, vector<16xf32>
      %select_n3A_1025 = arith.select %gt3A_1023, %add3A_992, %select_n3A_989 : vector<16xi1>, vector<16xi32>
      %add3A_1026 = arith.constant 16 : i32
      %add3A_1027 = vector.broadcast %add3A_1026 : i32 to vector<16xi32>
      %add3A_1028 = arith.addi %add3A_992, %add3A_1027 : vector<16xi32>
      %get3A_1029 = arith.constant 304 : index
      %get3A_1030 = tpu.vector_load %arg8[%get3A_1029] {strides = array<i32>} : memref<320xf32, #tpu.memory_space<vmem>>, vector<16xf32>,
      %max3A_1031 = arith.maximumf %scan3A_320, %get3A_1030 : vector<16xf32>
      %get3A_1032 = arith.constant 304 : index
      %get3A_1033 = tpu.vector_load %arg9[%get3A_1032] {strides = array<i32>} : memref<320xf32, #tpu.memory_space<vmem>>, vector<16xf32>,
      %max3A_1034 = arith.maximumf %scan3A_321, %get3A_1033 : vector<16xf32>
      %get3A_1035 = arith.constant 304 : index
      %get3A_1036 = tpu.vector_load %arg10[%get3A_1035] {strides = array<i32>} : memref<320xf32, #tpu.memory_space<vmem>>, vector<16xf32>,
      %min3A_1037 = arith.minimumf %scan3A_322, %get3A_1036 : vector<16xf32>
      %get3A_1038 = arith.constant 304 : index
      %get3A_1039 = tpu.vector_load %arg11[%get3A_1038] {strides = array<i32>} : memref<320xf32, #tpu.memory_space<vmem>>, vector<16xf32>,
      %min3A_1040 = arith.minimumf %scan3A_323, %get3A_1039 : vector<16xf32>
      %sub3A_1041 = arith.subf %min3A_1037, %max3A_1031 : vector<16xf32>
      %max3A_1042 = arith.constant 0.000000e+00 : f32
      %max3A_1043 = vector.broadcast %max3A_1042 : f32 to vector<16xf32>
      %max3A_1044 = arith.maximumf %sub3A_1041, %max3A_1043 : vector<16xf32>
      %sub3A_1045 = arith.subf %min3A_1040, %max3A_1034 : vector<16xf32>
      %max3A_1046 = arith.constant 0.000000e+00 : f32
      %max3A_1047 = vector.broadcast %max3A_1046 : f32 to vector<16xf32>
      %max3A_1048 = arith.maximumf %sub3A_1045, %max3A_1047 : vector<16xf32>
      %mul3A_1049 = arith.mulf %max3A_1044, %max3A_1048 : vector<16xf32>
      %get3A_1050 = arith.constant 304 : index
      %get3A_1051 = tpu.vector_load %arg13[%get3A_1050] {strides = array<i32>} : memref<320xf32, #tpu.memory_space<vmem>>, vector<16xf32>,
      %add3A_1052 = arith.addf %scan3A_324, %get3A_1051 : vector<16xf32>
      %sub3A_1053 = arith.subf %add3A_1052, %mul3A_1049 : vector<16xf32>
      %add3A_1054 = arith.addf %mul3A_1049, %mul3A_1049 : vector<16xf32>
      %gt3A_1055 = arith.cmpf ogt, %add3A_1054, %sub3A_1053 : vector<16xf32>
      %jit3A_1056 = arith.constant -1.000000e+00 : f32
      %broadcast_in_dim3A_1057 = vector.broadcast %jit3A_1056 : f32 to vector<16xf32>
      %select_n3A_1058 = arith.select %gt3A_1055, %broadcast_in_dim3A_1057, %scan3A_344 : vector<16xi1>, vector<16xf32>
      %gt3A_1059 = arith.cmpf ogt, %select_n3A_1058, %select_n3A_1024 : vector<16xf32>
      %select_n3A_1060 = arith.select %gt3A_1059, %select_n3A_1058, %select_n3A_1024 : vector<16xi1>, vector<16xf32>
      %select_n3A_1061 = arith.select %gt3A_1059, %add3A_1028, %select_n3A_1025 : vector<16xi1>, vector<16xi32>
      %add3A_1062 = arith.constant 16 : i32
      %add3A_1063 = vector.broadcast %add3A_1062 : i32 to vector<16xi32>
      %add3A_1064 = arith.addi %add3A_1028, %add3A_1063 : vector<16xi32>
      %broadcast_in_dim3A_1065 = vector.shape_cast %xor3A_299 : vector<16xi32> to vector<16x1xi32>
      %gather3A = vector.shape_cast %broadcast_in_dim3A_1065 : vector<16x1xi32> to vector<16xi32>
      %gather3A_1066 = tpu.dynamic_gather %select_n3A_1060[%gather3A] in [0] : vector<16xf32>, vector<16xi32> -> vector<16xf32>
      %broadcast_in_dim3A_1067 = vector.shape_cast %xor3A_299 : vector<16xi32> to vector<16x1xi32>
      %gather3A_1068 = vector.shape_cast %broadcast_in_dim3A_1067 : vector<16x1xi32> to vector<16xi32>
      %gather3A_1069 = tpu.dynamic_gather %select_n3A_1061[%gather3A_1068] in [0] : vector<16xi32>, vector<16xi32> -> vector<16xi32>
      %gt3A_1070 = arith.cmpf ogt, %gather3A_1066, %select_n3A_1060 : vector<16xf32>
      %eq3A_1071 = arith.cmpf oeq, %gather3A_1066, %select_n3A_1060 : vector<16xf32>
      %lt3A = arith.cmpi slt, %gather3A_1069, %select_n3A_1061 : vector<16xi32>
      %and3A_1072 = arith.andi %eq3A_1071, %lt3A : vector<16xi1>
      %or3A = arith.ori %gt3A_1070, %and3A_1072 : vector<16xi1>
      %select_n3A_1073 = arith.select %or3A, %gather3A_1066, %select_n3A_1060 : vector<16xi1>, vector<16xf32>
      %select_n3A_1074 = arith.select %or3A, %gather3A_1069, %select_n3A_1061 : vector<16xi1>, vector<16xi32>
      %broadcast_in_dim3A_1075 = vector.shape_cast %xor3A_302 : vector<16xi32> to vector<16x1xi32>
      %gather3A_1076 = vector.shape_cast %broadcast_in_dim3A_1075 : vector<16x1xi32> to vector<16xi32>
      %gather3A_1077 = tpu.dynamic_gather %select_n3A_1073[%gather3A_1076] in [0] : vector<16xf32>, vector<16xi32> -> vector<16xf32>
      %broadcast_in_dim3A_1078 = vector.shape_cast %xor3A_302 : vector<16xi32> to vector<16x1xi32>
      %gather3A_1079 = vector.shape_cast %broadcast_in_dim3A_1078 : vector<16x1xi32> to vector<16xi32>
      %gather3A_1080 = tpu.dynamic_gather %select_n3A_1074[%gather3A_1079] in [0] : vector<16xi32>, vector<16xi32> -> vector<16xi32>
      %gt3A_1081 = arith.cmpf ogt, %gather3A_1077, %select_n3A_1073 : vector<16xf32>
      %eq3A_1082 = arith.cmpf oeq, %gather3A_1077, %select_n3A_1073 : vector<16xf32>
      %lt3A_1083 = arith.cmpi slt, %gather3A_1080, %select_n3A_1074 : vector<16xi32>
      %and3A_1084 = arith.andi %eq3A_1082, %lt3A_1083 : vector<16xi1>
      %or3A_1085 = arith.ori %gt3A_1081, %and3A_1084 : vector<16xi1>
      %select_n3A_1086 = arith.select %or3A_1085, %gather3A_1077, %select_n3A_1073 : vector<16xi1>, vector<16xf32>
      %select_n3A_1087 = arith.select %or3A_1085, %gather3A_1080, %select_n3A_1074 : vector<16xi1>, vector<16xi32>
      %broadcast_in_dim3A_1088 = vector.shape_cast %xor3A_305 : vector<16xi32> to vector<16x1xi32>
      %gather3A_1089 = vector.shape_cast %broadcast_in_dim3A_1088 : vector<16x1xi32> to vector<16xi32>
      %gather3A_1090 = tpu.dynamic_gather %select_n3A_1086[%gather3A_1089] in [0] : vector<16xf32>, vector<16xi32> -> vector<16xf32>
      %broadcast_in_dim3A_1091 = vector.shape_cast %xor3A_305 : vector<16xi32> to vector<16x1xi32>
      %gather3A_1092 = vector.shape_cast %broadcast_in_dim3A_1091 : vector<16x1xi32> to vector<16xi32>
      %gather3A_1093 = tpu.dynamic_gather %select_n3A_1087[%gather3A_1092] in [0] : vector<16xi32>, vector<16xi32> -> vector<16xi32>
      %gt3A_1094 = arith.cmpf ogt, %gather3A_1090, %select_n3A_1086 : vector<16xf32>
      %eq3A_1095 = arith.cmpf oeq, %gather3A_1090, %select_n3A_1086 : vector<16xf32>
      %lt3A_1096 = arith.cmpi slt, %gather3A_1093, %select_n3A_1087 : vector<16xi32>
      %and3A_1097 = arith.andi %eq3A_1095, %lt3A_1096 : vector<16xi1>
      %or3A_1098 = arith.ori %gt3A_1094, %and3A_1097 : vector<16xi1>
      %select_n3A_1099 = arith.select %or3A_1098, %gather3A_1090, %select_n3A_1086 : vector<16xi1>, vector<16xf32>
      %select_n3A_1100 = arith.select %or3A_1098, %gather3A_1093, %select_n3A_1087 : vector<16xi1>, vector<16xi32>
      %broadcast_in_dim3A_1101 = vector.shape_cast %xor3A_308 : vector<16xi32> to vector<16x1xi32>
      %gather3A_1102 = vector.shape_cast %broadcast_in_dim3A_1101 : vector<16x1xi32> to vector<16xi32>
      %gather3A_1103 = tpu.dynamic_gather %select_n3A_1099[%gather3A_1102] in [0] : vector<16xf32>, vector<16xi32> -> vector<16xf32>
      %broadcast_in_dim3A_1104 = vector.shape_cast %xor3A_308 : vector<16xi32> to vector<16x1xi32>
      %gather3A_1105 = vector.shape_cast %broadcast_in_dim3A_1104 : vector<16x1xi32> to vector<16xi32>
      %gather3A_1106 = tpu.dynamic_gather %select_n3A_1100[%gather3A_1105] in [0] : vector<16xi32>, vector<16xi32> -> vector<16xi32>
      %gt3A_1107 = arith.cmpf ogt, %gather3A_1103, %select_n3A_1099 : vector<16xf32>
      %eq3A_1108 = arith.cmpf oeq, %gather3A_1103, %select_n3A_1099 : vector<16xf32>
      %lt3A_1109 = arith.cmpi slt, %gather3A_1106, %select_n3A_1100 : vector<16xi32>
      %and3A_1110 = arith.andi %eq3A_1108, %lt3A_1109 : vector<16xi1>
      %or3A_1111 = arith.ori %gt3A_1107, %and3A_1110 : vector<16xi1>
      %select_n3A_1112 = arith.select %or3A_1111, %gather3A_1103, %select_n3A_1099 : vector<16xi1>, vector<16xf32>
      %select_n3A_1113 = arith.select %or3A_1111, %gather3A_1106, %select_n3A_1100 : vector<16xi1>, vector<16xi32>
      %sub3A_1114 = vector.broadcast %mul3A_0 : i32 to vector<16xi32>
      %sub3A_1115 = arith.subi %select_n3A_1113, %sub3A_1114 : vector<16xi32>
      %gather3A_1116 = tpu.vector_load_idx %arg8[%sub3A_1115] : memref<320xf32, #tpu.memory_space<vmem>>[vector<16xi32>], vector<16xf32>,
      %sub3A_1117 = vector.broadcast %mul3A_0 : i32 to vector<16xi32>
      %sub3A_1118 = arith.subi %select_n3A_1113, %sub3A_1117 : vector<16xi32>
      %gather3A_1119 = tpu.vector_load_idx %arg9[%sub3A_1118] : memref<320xf32, #tpu.memory_space<vmem>>[vector<16xi32>], vector<16xf32>,
      %sub3A_1120 = vector.broadcast %mul3A_0 : i32 to vector<16xi32>
      %sub3A_1121 = arith.subi %select_n3A_1113, %sub3A_1120 : vector<16xi32>
      %gather3A_1122 = tpu.vector_load_idx %arg10[%sub3A_1121] : memref<320xf32, #tpu.memory_space<vmem>>[vector<16xi32>], vector<16xf32>,
      %sub3A_1123 = vector.broadcast %mul3A_0 : i32 to vector<16xi32>
      %sub3A_1124 = arith.subi %select_n3A_1113, %sub3A_1123 : vector<16xi32>
      %gather3A_1125 = tpu.vector_load_idx %arg11[%sub3A_1124] : memref<320xf32, #tpu.memory_space<vmem>>[vector<16xi32>], vector<16xf32>,
      %convert_element_type3A_1126 = arith.sitofp %select_n3A_1113 : vector<16xi32> to vector<16xf32>
      %eq3A_1127 = arith.constant 0 : i32
      %eq3A_1128 = vector.broadcast %eq3A_1127 : i32 to vector<16xi32>
      %eq3A_1129 = arith.cmpi eq, %iota3A, %eq3A_1128 : vector<16xi32>
      %eq3A_1130 = arith.constant 1 : i32
      %eq3A_1131 = vector.broadcast %eq3A_1130 : i32 to vector<16xi32>
      %eq3A_1132 = arith.cmpi eq, %iota3A, %eq3A_1131 : vector<16xi32>
      %eq3A_1133 = arith.constant 2 : i32
      %eq3A_1134 = vector.broadcast %eq3A_1133 : i32 to vector<16xi32>
      %eq3A_1135 = arith.cmpi eq, %iota3A, %eq3A_1134 : vector<16xi32>
      %eq3A_1136 = arith.constant 3 : i32
      %eq3A_1137 = vector.broadcast %eq3A_1136 : i32 to vector<16xi32>
      %eq3A_1138 = arith.cmpi eq, %iota3A, %eq3A_1137 : vector<16xi32>
      %eq3A_1139 = arith.constant 4 : i32
      %eq3A_1140 = vector.broadcast %eq3A_1139 : i32 to vector<16xi32>
      %eq3A_1141 = arith.cmpi eq, %iota3A, %eq3A_1140 : vector<16xi32>
      %select_n3A_1142 = arith.select %eq3A_1141, %gather3A_1122, %gather3A_1125 : vector<16xi1>, vector<16xf32>
      %select_n3A_1143 = arith.select %eq3A_1138, %gather3A_1119, %select_n3A_1142 : vector<16xi1>, vector<16xf32>
      %select_n3A_1144 = arith.select %eq3A_1135, %gather3A_1116, %select_n3A_1143 : vector<16xi1>, vector<16xf32>
      %select_n3A_1145 = arith.select %eq3A_1132, %convert_element_type3A_1126, %select_n3A_1144 : vector<16xi1>, vector<16xf32>
      %select_n3A_1146 = arith.select %eq3A_1129, %select_n3A_1112, %select_n3A_1145 : vector<16xi1>, vector<16xf32>
      %swap3A_1147 = arith.constant 0 : index
      %swap3A_1148 = tpu.vector_load %arg14[%swap3A_1147] {strides = array<i32>} : memref<16xf32, #tpu.memory_space<vmem>>, vector<16xf32>,
      tpu.vector_store %arg14[%swap3A_1147], %select_n3A_1146 {strides = array<i32>} : memref<16xf32, #tpu.memory_space<vmem>>, vector<16xf32>,
      %and3A_1149 = arith.constant 1 : i32
      %and3A_1150 = arith.andi %scan3A_319, %and3A_1149 : i32
      %mul3A_1151 = arith.constant 128 : i32
      %mul3A_1152 = arith.muli %and3A_1150, %mul3A_1151 : i32
      %mul3A_1153 = arith.constant 8 : i32
      %mul3A_1154 = arith.muli %arg1, %mul3A_1153 : i32
      %add3A_1155 = arith.addi %mul3A_1152, %mul3A_1154 : i32
      "tpu.region"() ({
        %run_scoped3A = tpu.sem_alloc : memref<!tpu.dma_semaphore, #tpu.memory_space<semaphore_mem>>
        %dma_start3A = arith.constant 0 : i32
        %dma_start3A_1200 = tpu.memref_slice %arg14[%dma_start3A] : memref<16xf32, #tpu.memory_space<vmem>> -> memref<8xf32, #tpu.memory_space<vmem>>
        %dma_start3A_1201 = tpu.memref_slice %arg15[%add3A_1155] : memref<256xf32, #tpu.memory_space<vmem_shared>> -> memref<8xf32, #tpu.memory_space<vmem_shared>>
        %dma_start3A_1202 = tpu.memref_slice %arg15[%add3A_1155] : memref<256xf32, #tpu.memory_space<vmem_shared>> -> memref<8xf32, #tpu.memory_space<vmem_shared>>
        %dma_start3A_1203 = arith.constant 0 : i32
        %dma_start3A_1204 = tpu.memref_slice %arg14[%dma_start3A_1203] : memref<16xf32, #tpu.memory_space<vmem>> -> memref<8xf32, #tpu.memory_space<vmem>>
        tpu.enqueue_dma source(%dma_start3A_1204 : memref<8xf32, #tpu.memory_space<vmem>>) target(%dma_start3A_1202 : memref<8xf32, #tpu.memory_space<vmem_shared>>) target_semaphore(%run_scoped3A : memref<!tpu.dma_semaphore, #tpu.memory_space<semaphore_mem>>)
        %dma_wait3A = arith.constant 0 : i32
        %dma_wait3A_1205 = tpu.memref_slice %arg14[%dma_wait3A] : memref<16xf32, #tpu.memory_space<vmem>> -> memref<8xf32, #tpu.memory_space<vmem>>
        %dma_wait3A_1206 = tpu.memref_slice %arg15[%add3A_1155] : memref<256xf32, #tpu.memory_space<vmem_shared>> -> memref<8xf32, #tpu.memory_space<vmem_shared>>
        %dma_wait3A_1207 = tpu.memref_slice %arg15[%add3A_1155] : memref<256xf32, #tpu.memory_space<vmem_shared>> -> memref<8xf32, #tpu.memory_space<vmem_shared>>
        %dma_wait3A_1208 = arith.constant 0 : i32
        %dma_wait3A_1209 = tpu.memref_slice %arg14[%dma_wait3A_1208] : memref<16xf32, #tpu.memory_space<vmem>> -> memref<8xf32, #tpu.memory_space<vmem>>
        tpu.wait_dma2 semaphore(%run_scoped3A : memref<!tpu.dma_semaphore, #tpu.memory_space<semaphore_mem>>) src(%dma_wait3A_1209 : memref<8xf32, #tpu.memory_space<vmem>>) dst(%dma_wait3A_1207 : memref<8xf32, #tpu.memory_space<vmem_shared>>)
        tpu.yield
      }) : () -> ()
      %barrier3A = arith.constant 0 : index
      tpu.barrier barrier_id(%barrier3A)
      "tpu.region"() ({
        %run_scoped3A = tpu.sem_alloc : memref<!tpu.dma_semaphore, #tpu.memory_space<semaphore_mem>>
        %dma_start3A = tpu.memref_slice %arg15[%mul3A_1152] : memref<256xf32, #tpu.memory_space<vmem_shared>> -> memref<128xf32, #tpu.memory_space<vmem_shared>>
        %dma_start3A_1200 = tpu.memref_slice %arg15[%mul3A_1152] : memref<256xf32, #tpu.memory_space<vmem_shared>> -> memref<128xf32, #tpu.memory_space<vmem_shared>>
        tpu.enqueue_dma source(%dma_start3A_1200 : memref<128xf32, #tpu.memory_space<vmem_shared>>) target(%arg16 : memref<128xf32, #tpu.memory_space<vmem>>) target_semaphore(%run_scoped3A : memref<!tpu.dma_semaphore, #tpu.memory_space<semaphore_mem>>)
        %dma_wait3A = tpu.memref_slice %arg15[%mul3A_1152] : memref<256xf32, #tpu.memory_space<vmem_shared>> -> memref<128xf32, #tpu.memory_space<vmem_shared>>
        %dma_wait3A_1201 = tpu.memref_slice %arg15[%mul3A_1152] : memref<256xf32, #tpu.memory_space<vmem_shared>> -> memref<128xf32, #tpu.memory_space<vmem_shared>>
        tpu.wait_dma2 semaphore(%run_scoped3A : memref<!tpu.dma_semaphore, #tpu.memory_space<semaphore_mem>>) src(%dma_wait3A_1201 : memref<128xf32, #tpu.memory_space<vmem_shared>>) dst(%arg16 : memref<128xf32, #tpu.memory_space<vmem>>)
        tpu.yield
      }) : () -> ()
      %mul3A_1156 = arith.constant 8 : i32
      %mul3A_1157 = vector.broadcast %mul3A_1156 : i32 to vector<16xi32>
      %mul3A_1158 = arith.muli %iota3A, %mul3A_1157 : vector<16xi32>
      %gather3A_1159 = tpu.vector_load_idx %arg16[%mul3A_1158] : memref<128xf32, #tpu.memory_space<vmem>>[vector<16xi32>], vector<16xf32>,
      %reduce_max3A = arith.constant true
      %reduce_max3A_1160 = vector.broadcast %reduce_max3A : i1 to vector<16xi1>
      %reduce_max3A_1161 = tpu.scan <max>, %gather3A_1159 masked %reduce_max3A_1160 : vector<16xf32>, vector<16xi1> -> vector<16xf32>
      %reduce_max3A_1162 = vector.extract %reduce_max3A_1161[15] : f32 from vector<16xf32>
      %eq3A_1163 = vector.broadcast %reduce_max3A_1162 : f32 to vector<16xf32>
      %eq3A_1164 = arith.cmpf oeq, %gather3A_1159, %eq3A_1163 : vector<16xf32>
      %all_reduce_ffs3A = tpu.all_reduce %eq3A_1164 {dim = 0 : i64, kind = #tpu.reduction_kind<find_first_set>} : vector<16xi1> -> vector<16xi32>
      %mul3A_1165 = arith.constant 8 : i32
      %mul3A_1166 = vector.broadcast %mul3A_1165 : i32 to vector<16xi32>
      %mul3A_1167 = arith.muli %all_reduce_ffs3A, %mul3A_1166 : vector<16xi32>
      %add3A_1168 = arith.constant 2 : i32
      %add3A_1169 = vector.broadcast %add3A_1168 : i32 to vector<16xi32>
      %add3A_1170 = arith.addi %mul3A_1167, %add3A_1169 : vector<16xi32>
      %gather3A_1171 = tpu.vector_load_idx %arg16[%add3A_1170] : memref<128xf32, #tpu.memory_space<vmem>>[vector<16xi32>], vector<16xf32>,
      %add3A_1172 = arith.constant 3 : i32
      %add3A_1173 = vector.broadcast %add3A_1172 : i32 to vector<16xi32>
      %add3A_1174 = arith.addi %mul3A_1167, %add3A_1173 : vector<16xi32>
      %gather3A_1175 = tpu.vector_load_idx %arg16[%add3A_1174] : memref<128xf32, #tpu.memory_space<vmem>>[vector<16xi32>], vector<16xf32>,
      %add3A_1176 = arith.constant 4 : i32
      %add3A_1177 = vector.broadcast %add3A_1176 : i32 to vector<16xi32>
      %add3A_1178 = arith.addi %mul3A_1167, %add3A_1177 : vector<16xi32>
      %gather3A_1179 = tpu.vector_load_idx %arg16[%add3A_1178] : memref<128xf32, #tpu.memory_space<vmem>>[vector<16xi32>], vector<16xf32>,
      %add3A_1180 = arith.constant 5 : i32
      %add3A_1181 = vector.broadcast %add3A_1180 : i32 to vector<16xi32>
      %add3A_1182 = arith.addi %mul3A_1167, %add3A_1181 : vector<16xi32>
      %gather3A_1183 = tpu.vector_load_idx %arg16[%add3A_1182] : memref<128xf32, #tpu.memory_space<vmem>>[vector<16xi32>], vector<16xf32>,
      %sub3A_1184 = arith.subf %gather3A_1179, %gather3A_1171 : vector<16xf32>
      %sub3A_1185 = arith.subf %gather3A_1183, %gather3A_1175 : vector<16xf32>
      %mul3A_1186 = arith.mulf %sub3A_1184, %sub3A_1185 : vector<16xf32>
      %ge3A = arith.constant 0.000000e+00 : f32
      %ge3A_1187 = arith.cmpf oge, %reduce_max3A_1162, %ge3A : f32
      %jit3A_1188 = arith.constant 1.000000e+00 : f32
      %jit3A_1189 = arith.constant 0.000000e+00 : f32
      %select_n3A_1190 = arith.select %ge3A_1187, %jit3A_1188, %jit3A_1189 : f32
      %broadcast_in_dim3A_1191 = vector.broadcast %select_n3A_1190 : f32 to vector<16xf32>
      %eq3A_1192 = arith.constant 0 : i32
      %eq3A_1193 = arith.cmpi eq, %arg0, %eq3A_1192 : i32
      %eq3A_1194 = arith.constant 0 : i32
      %eq3A_1195 = arith.cmpi eq, %arg1, %eq3A_1194 : i32
      %and3A_1196 = arith.andi %eq3A_1193, %eq3A_1195 : i1
      %convert_element_type3A_1197 = arith.extui %and3A_1196 : i1 to i32
      %cond3A_1198 = arith.constant 0 : i32
      %cond3A_1199 = arith.cmpi ne, %convert_element_type3A_1197, %cond3A_1198 : i32
      scf.if %cond3A_1199 {
        %eq3A_1200 = arith.constant 0 : i32
        %eq3A_1201 = vector.broadcast %eq3A_1200 : i32 to vector<16xi32>
        %eq3A_1202 = arith.cmpi eq, %iota3A, %eq3A_1201 : vector<16xi32>
        %eq3A_1203 = arith.constant 1 : i32
        %eq3A_1204 = vector.broadcast %eq3A_1203 : i32 to vector<16xi32>
        %eq3A_1205 = arith.cmpi eq, %iota3A, %eq3A_1204 : vector<16xi32>
        %eq3A_1206 = arith.constant 2 : i32
        %eq3A_1207 = vector.broadcast %eq3A_1206 : i32 to vector<16xi32>
        %eq3A_1208 = arith.cmpi eq, %iota3A, %eq3A_1207 : vector<16xi32>
        %select_n3A_1209 = arith.select %eq3A_1208, %gather3A_1179, %gather3A_1183 : vector<16xi1>, vector<16xf32>
        %select_n3A_1210 = arith.select %eq3A_1205, %gather3A_1175, %select_n3A_1209 : vector<16xi1>, vector<16xf32>
        %select_n3A_1211 = arith.select %eq3A_1202, %gather3A_1171, %select_n3A_1210 : vector<16xi1>, vector<16xf32>
        %mul3A_1212 = arith.mulf %select_n3A_1211, %broadcast_in_dim3A_1191 : vector<16xf32>
        %mul3A_1213 = arith.constant 4 : i32
        %mul3A_1214 = arith.muli %scan3A_319, %mul3A_1213 : i32
        %add3A_1215 = vector.broadcast %mul3A_1214 : i32 to vector<16xi32>
        %add3A_1216 = arith.addi %add3A_1215, %iota3A : vector<16xi32>
        %lt3A_1217 = arith.constant 4 : i32
        %lt3A_1218 = vector.broadcast %lt3A_1217 : i32 to vector<16xi32>
        %lt3A_1219 = arith.cmpi slt, %iota3A, %lt3A_1218 : vector<16xi32>
        tpu.vector_store_idx %arg17[%add3A_1216], %mul3A_1212 masked %lt3A_1219 : memref<416xf32, #tpu.memory_space<vmem>>[vector<16xi32>], vector<16xf32>, vector<16xi1>
      } else {
      }
      scf.yield %gather3A_1171, %gather3A_1175, %gather3A_1179, %gather3A_1183, %mul3A_1186, %select_n3A, %select_n3A_410, %select_n3A_446, %select_n3A_482, %select_n3A_518, %select_n3A_554, %select_n3A_590, %select_n3A_626, %select_n3A_662, %select_n3A_698, %select_n3A_734, %select_n3A_770, %select_n3A_806, %select_n3A_842, %select_n3A_878, %select_n3A_914, %select_n3A_950, %select_n3A_986, %select_n3A_1022, %select_n3A_1058 : vector<16xf32>, vector<16xf32>, vector<16xf32>, vector<16xf32>, vector<16xf32>, vector<16xf32>, vector<16xf32>, vector<16xf32>, vector<16xf32>, vector<16xf32>, vector<16xf32>, vector<16xf32>, vector<16xf32>, vector<16xf32>, vector<16xf32>, vector<16xf32>, vector<16xf32>, vector<16xf32>, vector<16xf32>, vector<16xf32>, vector<16xf32>, vector<16xf32>, vector<16xf32>, vector<16xf32>, vector<16xf32>
    }
    %scan3A_314 = arith.constant 100 : i32
    %eq3A = arith.constant 0 : i32
    %eq3A_315 = arith.cmpi eq, %arg0, %eq3A : i32
    %eq3A_316 = arith.constant 0 : i32
    %eq3A_317 = arith.cmpi eq, %arg1, %eq3A_316 : i32
    %and3A = arith.andi %eq3A_315, %eq3A_317 : i1
    %convert_element_type3A = arith.extui %and3A : i1 to i32
    %cond3A = arith.constant 0 : i32
    %cond3A_318 = arith.cmpi ne, %convert_element_type3A, %cond3A : i32
    scf.if %cond3A_318 {
      "tpu.region"() ({
        %run_scoped3A = tpu.sem_alloc : memref<!tpu.dma_semaphore, #tpu.memory_space<semaphore_mem>>
        %dma_start3A = arith.constant 0 : i32
        %dma_start3A_319 = tpu.memref_slice %arg17[%dma_start3A] : memref<416xf32, #tpu.memory_space<vmem>> -> memref<400xf32, #tpu.memory_space<vmem>>
        %dma_start3A_320 = arith.constant 0 : i32
        %dma_start3A_321 = tpu.memref_slice %arg17[%dma_start3A_320] : memref<416xf32, #tpu.memory_space<vmem>> -> memref<400xf32, #tpu.memory_space<vmem>>
        tpu.enqueue_dma source(%dma_start3A_321 : memref<400xf32, #tpu.memory_space<vmem>>) target(%arg7 : memref<400xf32, #tpu.memory_space<hbm>>) target_semaphore(%run_scoped3A : memref<!tpu.dma_semaphore, #tpu.memory_space<semaphore_mem>>)
        %dma_wait3A = arith.constant 0 : i32
        %dma_wait3A_322 = tpu.memref_slice %arg17[%dma_wait3A] : memref<416xf32, #tpu.memory_space<vmem>> -> memref<400xf32, #tpu.memory_space<vmem>>
        %dma_wait3A_323 = arith.constant 0 : i32
        %dma_wait3A_324 = tpu.memref_slice %arg17[%dma_wait3A_323] : memref<416xf32, #tpu.memory_space<vmem>> -> memref<400xf32, #tpu.memory_space<vmem>>
        tpu.wait_dma2 semaphore(%run_scoped3A : memref<!tpu.dma_semaphore, #tpu.memory_space<semaphore_mem>>) src(%dma_wait3A_324 : memref<400xf32, #tpu.memory_space<vmem>>) dst(%arg7 : memref<400xf32, #tpu.memory_space<hbm>>)
        tpu.yield
      }) : () -> ()
    } else {
    }
    return
  }
}

</mosaic_0001>

<sc_bundles>
// kernel: _nms.3.cloned.1.call-start
scs
__scs_entry_jumppad:
0x0: {  	(pc) =	sbr.rel $0x88, $3  }
0x1: {  	(tag) =	ssettag $0x0;
	lr =	simm.s32 $0x1  }
0x2: {  	[smem:$0x3F9C] =	sst lr;
	_ =	strace $0xD0000000  }
0x3: {  	_ = 	snop  }
0x4: {  	_ = 	snop  }
0x5: {  	_ = 	snop  }
0x6: {  	_ = 	snop  }
0x7: {  	_ = 	snop  }
__scs_overlays_trampoline_lowered:
0x8: {  	[smem:$0x3FAB] =	sst s0  }
0x9: {  	[smem:$0x3FAC] =	sst s1  }
0xa: {  	[smem:$0x3FAD] =	sst s2  }
0xb: {  	[smem:$0x3FAE] =	sst s3  }
0xc: {  	[smem:$0x3FAF] =	sst s4  }
0xd: {  	[smem:$0x3FB0] =	sst s5  }
0xe: {  	[smem:$0x3FB1] =	sst s6  }
0xf: {  	[smem:$0x3FB2] =	sst s7  }
0x10: {  	[smem:$0x3FB3] =	sst s8  }
0x11: {  	[smem:$0x3FB4] =	sst s9;
	s0 =	simm.s32 @!p0 $0x0  }
0x12: {  	s1 =	sld [smem:$0x3F9A];
	s0 =	simm.s32 @p0 $0x1  }
0x13: {  	[smem:$0x3FB5] =	sst s0;
	s0 =	simm.s32 @!p1 $0x0  }
0x14: {  	s2 =	sld [smem:$0x3F99];
	s0 =	simm.s32 @p1 $0x1  }
0x15: {  	[smem:$0x3FB6] =	sst s0;
	s0 =	simm.s32 @!p2 $0x0  }
0x16: {  	s3 =	sld [smem:$0x3FDB];
	s0 =	simm.s32 @p2 $0x1  }
0x17: {  	s4 =	simm.s32 $0x1BF5;
	[smem:$0x3FB8] =	sst s0  }
0x18: {  	s0 =	sld [smem:$0x3F9B];
	_ =	swait.ge [sflag:s4], $0x0  }
0x19: {  	s7 =	sld [smem:$0x3F9C]  }
0x1a: {  	s8 =	sadd.s32 $0xFFFFE003, lr  }
0x1b: {  	s9 =	sadd.s32 $0xFFFFFEF7, lr;
	s5 =	simm.s32 $0xFFFFFFFF;
	p2 =	slt.u32 s8, $0xFFFFF086  }
0x1c: {  	p1 =	slt.u32 s9, $0xF7A;
	s5 =	simm.s32 @!p2 $0x0  }
0x1d: {  	s5 =	simm.s32 @p1 $0x1;
	p0 =	seq.s32 s7, s2  }
0x1e: {  	s7 =	smul.u32 @!p0 $0xF7A, s2;
	p2 =	seq.s32 @!p0 s5, $0x0  }
0x1f: {  	s9 =	smul.u32 $0xF7A, s1;
	s8 =	simm.s32 @!p0 $0x1BF5;
	p2 =	por !p2, p0  }
0x20: {  	[sflag:s8] =	ssyncset.s32 @!p0 $0xFFFFF086;
	s6 =	sadd.s32 @!p0 s3, s7;
	s7 =	simm.s32 @!p0 $0x108  }
0x21: {  	s3 =	sadd.s32 s3, s9;
	s6 =	sadd.s32 @!p0 $0x88, s6;
	s7 =	simm.s32 @p2 $0x1082  }
0x22: {  	[simem:s7], [sflag:s8] =	dma.local @!p0 [hbm:s6], $0xF7A  }
0x23: {  	s9 =	sor.u32 $0xD0000000, s2;
	s6 =	simm.s32 $0x108;
	_ =	swait.ge @!p0 [sflag:s8], $0x0  }
0x24: {  	s3 =	sadd.s32 $0x88, s3;
	s6 =	simm.s32 @!p1 $0x1082;
	[sflag:s4] =	ssyncset.s32 $0xFFFFF086  }
0x25: {  	[simem:s6], [sflag:s4] =	dma.local [hbm:s3], $0xF7A  }
0x26: {  	[smem:$0x3F9C] =	sst s1;
	(tag) =	ssettag s2;
	_ =	strace s9  }
0x27: {  	s1 =	sld [smem:$0x3FAC]  }
0x28: {  	s2 =	sld [smem:$0x3FAD]  }
0x29: {  	s4 =	sld [smem:$0x3FAF]  }
0x2a: {  	p0 =	seq.s32 s5, $0x0;
	s5 =	sld [smem:$0x3FB0]  }
0x2b: {  	s6 =	sld [smem:$0x3FB1]  }
0x2c: {  	s7 =	sld [smem:$0x3FB2]  }
0x2d: {  	s3 =	simm.s32 $0x108;
	s8 =	sld [smem:$0x3FB3]  }
0x2e: {  	s3 =	simm.s32 @!p0 $0x1082;
	s9 =	sld [smem:$0x3FB4]  }
0x2f: {  	lr =	sadd.s32 s0, s3;
	s0 =	sld [smem:$0x3FAB]  }
0x30: {  	s3 =	sld [smem:$0x3FAE]  }
0x31: {  	[smem:$0x3FB7] =	sst s10  }
0x32: {  	s10 =	sld [smem:$0x3FB5];
	_ =	sdelay $0x3  }
0x33: {  	p0 =	seq.s32 s10, $0x1;
	s10 =	sld [smem:$0x3FB7];
	_ =	sdelay $0x3  }
0x34: {  	[smem:$0x3FB7] =	sst s10  }
0x35: {  	s10 =	sld [smem:$0x3FB6];
	_ =	sdelay $0x3  }
0x36: {  	p1 =	seq.s32 s10, $0x1;
	s10 =	sld [smem:$0x3FB7];
	_ =	sdelay $0x3  }
0x37: {  	[smem:$0x3FB7] =	sst s10  }
0x38: {  	s10 =	sld [smem:$0x3FB8]  }
0x39: {  	_ = 	snop;
	(pc) =	sbr.ind lr, $3  }
0x3a: {  	_ = 	snop  }
0x3b: {  	_ = 	snop  }
0x3c: {  	p2 =	seq.s32 s10, $0x1;
	s10 =	sld [smem:$0x3FB7]  }
0x3d: {  	_ =	shalt  }
0x3e: {  	_ =	shalt  }
0x3f: {  	_ =	shalt  }
0x40: {  	_ =	shalt  }
0x41: {  	_ =	shalt  }
0x42: {  	_ =	shalt  }
0x43: {  	_ =	shalt  }
0x44: {  	_ =	shalt  }
0x45: {  	_ =	shalt  }
0x46: {  	_ =	shalt  }
0x47: {  	_ =	shalt  }
0x48: {  	_ =	shalt  }
0x49: {  	_ =	shalt  }
0x4a: {  	_ =	shalt  }
0x4b: {  	_ =	shalt  }
0x4c: {  	_ =	shalt  }
0x4d: {  	_ =	shalt  }
0x4e: {  	_ =	shalt  }
0x4f: {  	_ =	shalt  }
0x50: {  	_ =	shalt  }
0x51: {  	_ =	shalt  }
0x52: {  	_ =	shalt  }
0x53: {  	_ =	shalt  }
0x54: {  	_ =	shalt  }
0x55: {  	_ =	shalt  }
0x56: {  	_ =	shalt  }
0x57: {  	_ =	shalt  }
0x58: {  	_ =	shalt  }
0x59: {  	_ =	shalt  }
0x5a: {  	_ =	shalt  }
0x5b: {  	_ =	shalt  }
0x5c: {  	_ =	shalt  }
0x5d: {  	_ =	shalt  }
0x5e: {  	_ =	shalt  }
0x5f: {  	_ =	shalt  }
0x60: {  	_ =	shalt  }
0x61: {  	_ =	shalt  }
0x62: {  	_ =	shalt  }
0x63: {  	_ =	shalt  }
0x64: {  	_ =	shalt  }
0x65: {  	_ =	shalt  }
0x66: {  	_ =	shalt  }
0x67: {  	_ =	shalt  }
0x68: {  	_ =	shalt  }
0x69: {  	_ =	shalt  }
0x6a: {  	_ =	shalt  }
0x6b: {  	_ =	shalt  }
0x6c: {  	_ =	shalt  }
0x6d: {  	_ =	shalt  }
0x6e: {  	_ =	shalt  }
0x6f: {  	_ =	shalt  }
0x70: {  	_ =	shalt  }
0x71: {  	_ =	shalt  }
0x72: {  	_ =	shalt  }
0x73: {  	_ =	shalt  }
0x74: {  	_ =	shalt  }
0x75: {  	_ =	shalt  }
0x76: {  	_ =	shalt  }
0x77: {  	_ =	shalt  }
0x78: {  	_ =	shalt  }
0x79: {  	_ =	shalt  }
0x7a: {  	_ =	shalt  }
0x7b: {  	_ =	shalt  }
0x7c: {  	_ =	shalt  }
0x7d: {  	_ =	shalt  }
0x7e: {  	_ =	shalt  }
0x7f: {  	_ =	shalt  }
0x80: {  	_ =	shalt  }
0x81: {  	_ =	shalt  }
0x82: {  	_ =	shalt  }
0x83: {  	_ =	shalt  }
0x84: {  	_ =	shalt  }
0x85: {  	_ =	shalt  }
0x86: {  	_ =	shalt  }
0x87: {  	_ =	shalt  }
.Lfunc_end0:
.L_simem_size_0:
called_computation_lowered:
.L_overlay_start_0:
0x88: {  	s0 =	sld [smem:$0x3FD9]  }
0x89: {  	s1 =	sld [smem:$0x3FFE];
	_ =	sdelay $0x3  }
0x8a: {  	s0 =	sadd.s32 s1, s0  }
0x8b: {  	[smem:$0x3FC3] =	sst s0  }
0x8c: {  	_ = 	snop  }
0x8d: {  	s0 =	sld [smem:$0x3FC9]  }
0x8e: {  	s17 =	sld [smem:$0x3FC8]  }
0x8f: {  	s2 =	sld [smem:$0x3FC7]  }
0x90: {  	s3 =	sld [smem:$0x3FC6]  }
0x91: {  	s4 =	sld [smem:$0x3FC5]  }
0x92: {  	s5 =	sld [smem:$0x3FD0];
	(tm) =	ssettm $0x1  }
0x93: {  	s6 =	sld [smem:$0x3FFB];
	_ =	sdelay $0x3  }
0x94: {  	_ =	strace s6  }
0x95: {  	s6 =	sld [smem:$0x3FFC];
	_ =	sdelay $0x3  }
0x96: {  	_ =	strace s6  }
0x97: {  	s6 =	sld [smem:$0x3FFD];
	_ =	sdelay $0x3  }
0x98: {  	_ =	strace s6  }
0x99: {  	_ =	strace $0x8FFFFFFF  }
0x9a: {  	s18 =	sld [smem:$0x3FDB];
	_ =	sdelay $0x1  }
0x9b: {  	s7 =	simm.s32 $_scs_section_size  }
0x9c: {  	s8 =	simm.s32 $_size__tile_overlayer_lowered;
	s9 =	simm.s32 $_tile_overlayer_lowered  }
0x9d: {  	s21 =	simm.s32 $0x1BFF;
	s20 =	sshll.u32 s9, $0x1;
	s6 =	sadd.s32 s7, s18  }
0x9e: {  	s10 =	simm.s32 $0x0;
	s19 =	sshll.u32 s8, $0x1;
	s8 =	sadd.s32 s20, s6  }
0x9f: {  	[timem:s10], [sflag:s21] =	dma.local [hbm:s8], s19  }
0xa0: {  	_ =	swait.ge [sflag:s21], s19  }
0xa1: {  	s7 =	ssub.s32 $0x0, s19;
	[sflag:s21] =	ssyncset.done $0x0  }
0xa2: {  	[sflag:s21] =	ssyncadd.s32 s7;
	_ =	sdelay $0x1  }
0xa3: {  	s22 =	simm.s32 $0x1B8B  }
0xa4: {  	_ =	swait.ge [sflag:s22], $0x1  }
0xa5: {  	[sflag:s22] =	ssyncset.done $0x0  }
0xa6: {  	s23 =	simm.s32 $0x1B8E;
	[sflag:s22] =	ssyncadd.s32 $0xFFFFFFFF  }
0xa7: {  	s24 =	simm.s32 $execute0_lowered;
	[smem:$0x3FD2] =	sst s23  }
0xa8: {  	s7 =	sshll.u32 s24, $0x1;
	_ =	strace $0x80000046;
	[dreg:$0x1] =	wrdreg $0xFFFFFFFF  }
0xa9: {  	s25 =	simm.s32 $_size_execute0_lowered;
	s6 =	sadd.s32 s6, s7;
	[dreg:$0x0] =	wrdreg $0x0  }
0xaa: {  	s7 =	sshll.u32 s25, $0x1;
	[dreg:$0x2] =	wrdreg s6  }
0xab: {  	[dreg:$0x3] =	wrdreg s7  }
0xac: {  	[dreg:$0x4] =	wrdreg $0xC0  }
0xad: {  	_ =	task [dreg:s10], $0x5FFFF  }
0xae: {  	[dreg:$0x1] =	wrdreg $0xFFFFFFFF  }
0xaf: {  	[dreg:$0x0] =	wrdreg $0x60  }
0xb0: {  	[dreg:$0x2] =	wrdreg s0  }
0xb1: {  	[dreg:$0x3] =	wrdreg s17  }
0xb2: {  	[dreg:$0x4] =	wrdreg s2  }
0xb3: {  	[dreg:$0x5] =	wrdreg s3  }
0xb4: {  	[dreg:$0x6] =	wrdreg s4  }
0xb5: {  	[dreg:$0x7] =	wrdreg s5  }
0xb6: {  	[dreg:$0x8] =	wrdreg $0x9800  }
0xb7: {  	[dreg:$0x9] =	wrdreg $0x9  }
0xb8: {  	_ =	task.clear_ibuf [dreg:s10], $0xAFFFF;
	_ =	strace $0x90000046  }
0xb9: {  	s26 =	simm.s32 $0x9;
	_ =	strace $0x80000048  }
0xba: {  	_ =	swait.ge [sflag:s26], $0x1  }
0xbb: {  	[sflag:s26] =	ssyncadd.s32 $0xFFFFFFFF  }
0xbc: {  	_ =	strace $0x90000048  }
0xbd: {  	_ =	sfence  }
0xbe: {  	s28 =	sld [smem:$0x0];
	_ =	sdelay $0x1  }
0xbf: {  	s29 =	srdreg.scid  }
0xc0: {  	s30 =	sshll.u32 s29, $0xD;
	s31 =	sshrl.u32 s29, $0x2  }
0xc1: {  	s1 =	sand.u32 $0x1, s29;
	s2 =	sand.u32 $0x4000, s30;
	s0 =	sadd.s32 s31, s28  }
0xc2: {  	s1 =	sor.u32 s2, s1;
	s0 =	sshll.u32 s0, $0x11  }
0xc3: {  	s0 =	sor.u32 s0, s1  }
0xc4: {  	s0 =	sadd.s32 $0x8F2B, s0  }
0xc5: {  	[sflag:s0] =	ssyncadd.remote.s32 $0x1  }
0xc6: {  	_ =	sfence.sel $0xFFFF  }
0xc7: {  	[dreg:$0x0] =	wrdreg $0xFFFFFFFF;
	(pc) =	sbr.abs _section_cstart, $3  }
0xc8: {  	[dreg:$0x1] =	wrdreg $0xFFFFFFFF  }
0xc9: {  	_ =	task.clear_ibuf [dreg:s10], $0x2FFFF;
	_ =	strace $0x9FFFFFFF  }
0xca: {  	(tm) =	ssettm $0x7FFFFFFF  }
0xcb: {  	_ =	shalt  }
tec
execute0_lowered:
.L_overlay_start_1:
0x0: {  	(tag) =	ssettag $0x1  }
0x1: {  	s4 =	rddreg [dreg:$0x0]  }
0x2: {  	s5 =	rddreg [dreg:$0x1]  }
0x3: {  	s6 =	rddreg [dreg:$0x2]  }
0x4: {  	s7 =	rddreg [dreg:$0x3]  }
0x5: {  	s10 =	rddreg [dreg:$0x4];
	s9 =	stileid.u32  }
0x6: {  	s1 =	rddreg [dreg:$0x5];
	s8 =	smul.u32 $0x140, s9  }
0x7: {  	s2 =	rddreg [dreg:$0x6];
	s3 =	simm.s32 $0x0  }
0x8: {  	[smem:$0x7FF] =	sst s3;
	s11 =	sshrl.u32 s8, $0x3  }
0x9: {  	s0 =	rddreg [dreg:$0x7];
	_ =	strace $0x80000047;
	s4 =	sadd.s32 s4, s11  }
0xa: {  	[tilespmem:s3], [sflag:$0x1] =	stream.linear.gather [hbm4b:s4+s3], $0x140, $0x38;
	[tilespmem:$0xC10] =	vst v63  }
0xb: {  	s4 =	simm.s32 $0x1  }
0xc: {  	_ =	swait.ge [sflag:s4], $0x140  }
0xd: {  	[sflag:s4] =	ssyncset.done $0x0  }
0xe: {  	s12 =	sadd.s32 s5, s11;
	s5 =	simm.s32 $0x180;
	[sflag:s4] =	ssyncadd.s32 $0xFFFFFEC0  }
0xf: {  	[tilespmem:s5], [sflag:$0x1] =	stream.linear.gather [hbm4b:s12+s3], $0x140, $0x38;
	[tilespmem:$0xC10] =	vst v63  }
0x10: {  	_ =	swait.ge [sflag:s4], $0x140  }
0x11: {  	[sflag:s4] =	ssyncset.done $0x0  }
0x12: {  	s28 =	sadd.s32 s6, s11;
	s6 =	simm.s32 $0x300;
	[sflag:s4] =	ssyncadd.s32 $0xFFFFFEC0  }
0x13: {  	[tilespmem:s6], [sflag:$0x1] =	stream.linear.gather [hbm4b:s28+s3], $0x140, $0x38;
	[tilespmem:$0xC10] =	vst v63  }
0x14: {  	_ =	swait.ge [sflag:s4], $0x140  }
0x15: {  	[sflag:s4] =	ssyncset.done $0x0  }
0x16: {  	s29 =	sadd.s32 s7, s11;
	s7 =	simm.s32 $0x480;
	[sflag:s4] =	ssyncadd.s32 $0xFFFFFEC0  }
0x17: {  	[tilespmem:s7], [sflag:$0x1] =	stream.linear.gather [hbm4b:s29+s3], $0x140, $0x38;
	[tilespmem:$0xC10] =	vst v63  }
0x18: {  	_ =	swait.ge [sflag:s4], $0x140  }
0x19: {  	[sflag:s4] =	ssyncset.done $0x0  }
0x1a: {  	s30 =	simm.s32 $0x600;
	s10 =	sadd.s32 s10, s11;
	[sflag:s4] =	ssyncadd.s32 $0xFFFFFEC0  }
0x1b: {  	[tilespmem:s30], [sflag:$0x1] =	stream.linear.gather [hbm4b:s10+s3], $0x140, $0x38;
	[tilespmem:$0xC10] =	vst v63  }
0x1c: {  	_ =	swait.ge [sflag:s4], $0x140  }
0x1d: {  	[sflag:s4] =	ssyncset.done $0x0  }
0x1e: {  	[sflag:s4] =	ssyncadd.s32 $0xFFFFFEC0  }
0x1f: {  	v2 =	vld [tilespmem:$0x300]  }
0x20: {  	v3 =	vld [tilespmem:$0x0]  }
0x21: {  	v4 =	vld [tilespmem:$0x480]  }
0x22: {  	v5 =	vld [tilespmem:$0x180]  }
0x23: {  	v6 =	vld [tilespmem:$0x310]  }
0x24: {  	v7 =	vld [tilespmem:$0x10]  }
0x25: {  	v8 =	vld [tilespmem:$0x490]  }
0x26: {  	v9 =	vld [tilespmem:$0x190]  }
0x27: {  	v10 =	vld [tilespmem:$0x320]  }
0x28: {  	v11 =	vld [tilespmem:$0x20]  }
0x29: {  	v12 =	vld [tilespmem:$0x4A0]  }
0x2a: {  	v13 =	vld [tilespmem:$0x1A0]  }
0x2b: {  	v14 =	vld [tilespmem:$0x330]  }
0x2c: {  	v15 =	vld [tilespmem:$0x30]  }
0x2d: {  	v16 =	vld [tilespmem:$0x4B0]  }
0x2e: {  	v17 =	vld [tilespmem:$0x1B0]  }
0x2f: {  	v18 =	vld [tilespmem:$0x340]  }
0x30: {  	v19 =	vld [tilespmem:$0x40]  }
0x31: {  	v20 =	vld [tilespmem:$0x4C0]  }
0x32: {  	v21 =	vld [tilespmem:$0x1C0]  }
0x33: {  	v22 =	vld [tilespmem:$0x350]  }
0x34: {  	v23 =	vld [tilespmem:$0x50]  }
0x35: {  	v24 =	vld [tilespmem:$0x4D0]  }
0x36: {  	v25 =	vld [tilespmem:$0x1D0]  }
0x37: {  	v26 =	vld [tilespmem:$0x360]  }
0x38: {  	v27 =	vld [tilespmem:$0x60]  }
0x39: {  	v28 =	vld [tilespmem:$0x4E0]  }
0x3a: {  	v29 =	vld [tilespmem:$0x1E0]  }
0x3b: {  	v30 =	vld [tilespmem:$0x370]  }
0x3c: {  	v31 =	vld [tilespmem:$0x70]  }
0x3d: {  	v32 =	vld [tilespmem:$0x4F0]  }
0x3e: {  	v33 =	vld [tilespmem:$0x1F0]  }
0x3f: {  	v34 =	vld [tilespmem:$0x380]  }
0x40: {  	v35 =	vld [tilespmem:$0x80]  }
0x41: {  	v36 =	vld [tilespmem:$0x500]  }
0x42: {  	v37 =	vld [tilespmem:$0x200]  }
0x43: {  	v38 =	vld [tilespmem:$0x390]  }
0x44: {  	v39 =	vld [tilespmem:$0x90]  }
0x45: {  	v40 =	vld [tilespmem:$0x510]  }
0x46: {  	v41 =	vld [tilespmem:$0x210]  }
0x47: {  	v42 =	vld [tilespmem:$0x3A0]  }
0x48: {  	v43 =	vld [tilespmem:$0xA0]  }
0x49: {  	v44 =	vld [tilespmem:$0x520]  }
0x4a: {  	v45 =	vld [tilespmem:$0x220]  }
0x4b: {  	v46 =	vld [tilespmem:$0x3B0]  }
0x4c: {  	v48 =	vld [tilespmem:$0x530]  }
0x4d: {  	v49 =	vld [tilespmem:$0x230]  }
0x4e: {  	v50 =	vld [tilespmem:$0x3C0]  }
0x4f: {  	v51 =	vld [tilespmem:$0xC0]  }
0x50: {  	v52 =	vld [tilespmem:$0x540]  }
0x51: {  	v53 =	vld [tilespmem:$0x240]  }
0x52: {  	v55 =	vld [tilespmem:$0x3D0]  }
0x53: {  	v56 =	vld [tilespmem:$0xD0]  }
0x54: {  	vm0 =	vcmask $0x3F14;
	vm1 =	vcmask $0x3F10;
	vm2 =	vcmask $0x3F0C;
	v57 =	vld [tilespmem:$0x550]  }
0x55: {  	vm3 =	vcmask $0x3F08;
	vm4 =	vmmov $0x1;
	v58 =	vld [tilespmem:$0x250];
	v54 =	vsub.f32 v2, v3  }
0x56: {  	v0 =	vmov s8;
	v60 =	vld [tilespmem:$0x3E0];
	v4 =	vsub.f32 v4, v5;
	v5 =	vsub.f32 v6, v7  }
0x57: {  	[tilespmem:$0x1FFE0] =	vst v0;
	v0 =	vlaneseq.u32;
	v62 =	vld [tilespmem:$0xE0];
	v6 =	vsub.f32 v8, v9;
	v7 =	vsub.f32 v10, v11  }
0x58: {  	v47 =	vld [tilespmem:$0xB0];
	v3 =	vor.u32 $0x10, v0;
	v9 =	vsub.f32 v12, v13;
	v11 =	vsub.f32 v20, v21  }
0x59: {  	v63 =	vld [tilespmem:$0x560];
	v2 =	vor.u32 s8, v0;
	v12 =	vsub.f32 v26, v27;
	v13 =	vsub.f32 v28, v29  }
0x5a: {  	v8 =	vor.u32 $0x20, v0;
	v20 =	vld [tilespmem:$0x3F0];
	v49 =	vsub.f32 v48, v49;
	v50 =	vsub.f32 v50, v51  }
0x5b: {  	v10 =	vor.u32 $0x30, v0;
	v21 =	vld [tilespmem:$0xF0];
	v53 =	vsub.f32 v52, v53;
	v56 =	vsub.f32 v55, v56  }
0x5c: {  	v26 =	vld [tilespmem:$0x580];
	v51 =	vor.u32 $0xE0, v0;
	v58 =	vsub.f32 v57, v58;
	v52 =	vsub.f32 v60, v62  }
0x5d: {  	v57 =	vor.u32 $0x120, v0;
	v60 =	vld [tilespmem:$0x2B0];
	v3 =	vor.u32 s8, v3;
	v59 =	vmul.f32 v4, v54  }
0x5e: {  	v1 =	vmul.f32 v6, v5;
	v5 =	vor.u32 s8, v10;
	v10 =	vsub.f32 v18, v19;
	v18 =	vld [tilespmem:$0x260]  }
0x5f: {  	v4 =	vor.u32 s8, v8;
	v8 =	vsub.f32 v14, v15;
	v14 =	vsub.f32 v30, v31;
	v30 =	vld [tilespmem:$0x280]  }
0x60: {  	v6 =	vor.u32 $0x40, v0;
	v15 =	vor.u32 $0x80, v0;
	v28 =	vmul.f32 v13, v12;
	v31 =	vld [tilespmem:$0x410]  }
0x61: {  	v12 =	vor.u32 $0xA0, v0;
	v13 =	vor.u32 $0xB0, v0;
	v19 =	vsub.f32 v46, v47;
	v46 =	vld [tilespmem:$0x430]  }
0x62: {  	v6 =	vadd.s32 s8, v6;
	v61 =	vmul.f32 v11, v10;
	v10 =	vsub.f32 v22, v23;
	v22 =	vld [tilespmem:$0x570]  }
0x63: {  	v12 =	vadd.s32 s8, v12;
	v13 =	vadd.s32 s8, v13;
	[tilespmem:$0x1FFF0] =	vst v1;
	v1 =	vmul.f32 v9, v7;
	v23 =	vld [tilespmem:$0x270]  }
0x64: {  	v9 =	vsub.f32 v16, v17;
	v7 =	vor.u32 $0x50, v0;
	v11 =	vsub.f32 v24, v25;
	v24 =	vld [tilespmem:$0x400]  }
0x65: {  	v16 =	vsub.f32 v32, v33;
	v25 =	vld [tilespmem:$0x100];
	v17 =	vsub.f32 v40, v41;
	v41 =	vmul.f32 v58, v56  }
0x66: {  	v33 =	vld [tilespmem:$0x110];
	[tilespmem:$0x780] =	vst v59;
	v59 =	vimm.s32 $0xDCFE98BA;
	v7 =	vadd.s32 s8, v7;
	v58 =	vsub.f32 v20, v21  }
0x67: {  	v40 =	vld [tilespmem:$0x2A0];
	v54 =	vmul.f32 v9, v8;
	v8 =	vor.u32 $0x60, v0;
	v9 =	vor.u32 $0x70, v0  }
0x68: {  	v56 =	vld [tilespmem:$0x5B0];
	v27 =	vmul.f32 v11, v10;
	v11 =	vor.u32 $0x90, v0;
	v10 =	vadd.s32 s8, v15  }
0x69: {  	[tilespmem:$0x7E0] =	vst v28;
	v28 =	vld [tilespmem:$0x660];
	v29 =	vmul.f32 v16, v14;
	v14 =	vsub.f32 v34, v35;
	v15 =	vsub.f32 v36, v37  }
0x6a: {  	v20 =	vld [tilespmem:$0x600];
	v16 =	vsub.f32 v38, v39;
	v37 =	vmul.f32 v49, v19;
	v39 =	vmul.f32 v53, v50  }
0x6b: {  	v21 =	vld [tilespmem:$0x1FFF0];
	v19 =	vor.u32 $0x100, v0;
	v53 =	vor.u32 $0x110, v0;
	v8 =	vadd.s32 s8, v8  }
0x6c: {  	v35 =	vld [tilespmem:$0x590];
	v9 =	vadd.s32 s8, v9;
	v11 =	vadd.s32 s8, v11;
	v55 =	vsub.f32 v63, v18  }
0x6d: {  	v36 =	vld [tilespmem:$0x290];
	v18 =	vadd.s32 s8, v19;
	v19 =	vadd.s32 s8, v53;
	v26 =	vsub.f32 v26, v30  }
0x6e: {  	v38 =	vld [tilespmem:$0x420];
	v32 =	vmul.f32 v15, v14;
	v34 =	vmul.f32 v17, v16;
	v14 =	vor.u32 $0xC0, v0  }
0x6f: {  	v50 =	vld [tilespmem:$0x130];
	v16 =	vsub.f32 v42, v43;
	v17 =	vsub.f32 v44, v45;
	v15 =	vor.u32 $0xD0, v0  }
0x70: {  	v42 =	vld [tilespmem:$0x120];
	v14 =	vadd.s32 s8, v14;
	v15 =	vadd.s32 s8, v15;
	v47 =	vmul.f32 v55, v52  }
0x71: {  	v44 =	vld [tilespmem:$0x5A0];
	[tilespmem:$0x7D0] =	vst v27;
	v62 =	vsub.f32 v22, v23;
	v22 =	vor.u32 $0x130, v0;
	v63 =	vsub.f32 v24, v25  }
0x72: {  	v27 =	vld [tilespmem:$0x650];
	[tilespmem:$0x7F0] =	vst v29;
	v30 =	vsub.f32 v31, v33;
	v56 =	vsub.f32 v56, v60;
	v60 =	vunpack.c.l.s4.s8 v59  }
0x73: {  	v29 =	vld [tilespmem:$0x670];
	[tilespmem:$0x830] =	vst v37;
	v43 =	vmul.f32 v17, v16;
	v17 =	vor.u32 $0xF0, v0;
	v16 =	vadd.s32 s8, v51  }
0x74: {  	v37 =	vld [tilespmem:$0x6F0];
	[tilespmem:$0x790] =	vst v21;
	v21 =	vadd.s32 s8, v57;
	v22 =	vadd.s32 s8, v22;
	v57 =	vimm.s32 $0xEFCDAB89  }
0x75: {  	v23 =	vld [tilespmem:$0x610];
	v51 =	vimm.s32 $0x54761032;
	v17 =	vadd.s32 s8, v17;
	v48 =	vmul.f32 v62, v58  }
0x76: {  	[tilespmem:$0x7A0] =	vst v1;
	v24 =	vld [tilespmem:$0x620];
	v31 =	vsub.f32 v35, v36;
	v49 =	vmul.f32 v26, v63;
	v55 =	vsub.f32 v46, v50  }
0x77: {  	[tilespmem:$0x7B0] =	vst v54;
	v25 =	vld [tilespmem:$0x630];
	v58 =	vimm.s32 $0x67452301;
	v63 =	vunpack.c.0.s8.s32 v60;
	v52 =	vunpack.c.l.s4.s8 v51  }
0x78: {  	v33 =	vld [tilespmem:$0x6B0];
	[tilespmem:$0x860] =	vst v47;
	v47 =	vimm.f32 $0.0e+00;
	v51 =	vimm.f32 $0.0e+00;
	v53 =	vsub.f32 v38, v42  }
0x79: {  	[tilespmem:$0x800] =	vst v32;
	v32 =	vld [tilespmem:$0x6A0];
	v54 =	vsub.f32 v44, v40;
	v40 =	vunpack.c.l.s4.s8 v57;
	v45 =	vmul.f32 v31, v30  }
0x7a: {  	[tilespmem:$0x810] =	vst v34;
	v34 =	vld [tilespmem:$0x6C0];
	v31 =	vunpack.c.l.s4.s8 v58;
	v46 =	vmul.f32 v56, v55;
	v56 =	vimm.s32 $0xFEDCBA98  }
0x7b: {  	v26 =	vld [tilespmem:$0x640];
	v57 =	vunpack.c.0.s8.s32 v52;
	v58 =	vimm.s32 $0x76543210;
	[tilespmem:$0x870] =	vst v48;
	v48 =	vimm.f32 $0.0e+00  }
0x7c: {  	[tilespmem:$0x7C0] =	vst v61;
	v36 =	vld [tilespmem:$0x6E0];
	v44 =	vmul.f32 v54, v53;
	v53 =	vimm.s32 $0xBA98FEDC;
	v54 =	vimm.s32 $0x32107654  }
0x7d: {  	[tilespmem:$0x820] =	vst v43;
	v30 =	vld [tilespmem:$0x680];
	v43 =	vunpack.c.l.s4.s8 v56;
	v55 =	vunpack.c.l.s4.s8 v53;
	v35 =	vunpack.c.l.s4.s8 v54  }
0x7e: {  	[tilespmem:$0x840] =	vst v39;
	v61 =	vunpack.c.0.s8.s32 v40;
	v62 =	vunpack.c.0.s8.s32 v31;
	v31 =	vld [tilespmem:$0x690];
	v40 =	vcombine.low v57, v63  }
.Ltmp0:
0x7f: {  	v50 =	vunpack.c.l.s4.s8 v58;
	[tilespmem:$0x8B0] =	vst v46;
	v46 =	vld [tilespmem:$0x730];
	v59 =	vunpack.c.0.s8.s32 v55;
	v60 =	vunpack.c.0.s8.s32 v35;
	(pc) =	sbr.rel .LBB2_1-.Ltmp0, $4  }
0x80: {  	s13 =	simm.s32 $0x0;
	[tilespmem:$0x880] =	vst v49;
	v38 =	vcombine.low v62, v61;
	v61 =	vunpack.c.0.s8.s32 v43;
	v39 =	vand.u32 $0xF, v40;
	v40 =	vld [tilespmem:$0x700]  }
0x81: {  	s14 =	simm.s32 $0x0;
	s15 =	simm.s32 $0x0;
	s31 =	sshll.u32 s9, $0x5;
	v49 =	vimm.f32 $0.0e+00;
	[tilespmem:$0x890] =	vst v45;
	v62 =	vunpack.c.0.s8.s32 v50;
	v43 =	vld [tilespmem:$0x710];
	v42 =	vcombine.low v60, v59  }
0x82: {  	p0 =	sne.s32 s9, $0x0;
	s9 =	sshrl.u32 s31, $0x2;
	s11 =	simm.s32 $0x990;
	v45 =	vmul.u32 $0x8, v0;
	[tilespmem:$0x8A0] =	vst v44;
	v44 =	vld [tilespmem:$0x720];
	v50 =	vimm.f32 $0.0e+00;
	v63 =	vand.u32 $0xF, v61  }
0x83: {  	s12 =	simm.s32 $0xA10;
	s10 =	simm.s32 $0x900;
	[tilespmem:$0x850] =	vst v41;
	s8 =	simm.s32 $0x63;
	v35 =	vld [tilespmem:$0x6D0];
	v38 =	vand.u32 $0xF, v38;
	v41 =	vand.u32 $0xF, v42;
	v42 =	vcombine.low v63, v62  }
.LBB2_4:
0x84: {  	v0 =	vsub.f32 v49, v51;
	v1 =	vsub.f32 v48, v50;
	_ =	sdelay $0x1  }
0x85: {  	s8 =	sadd.s32 $0xFFFFFFFF, s8;
	s14 =	sadd.s32 $0x4, s14;
	s13 =	sadd.s32 $0x80, s13;
	v47 =	vmul.f32 v1, v0  }
.LBB2_1:
0x86: {  	v52 =	vld [tilespmem:$0x0]  }
0x87: {  	v53 =	vld [tilespmem:$0x180]  }
0x88: {  	v54 =	vld [tilespmem:$0x300]  }
0x89: {  	v55 =	vld [tilespmem:$0x480]  }
0x8a: {  	v56 =	vld [tilespmem:$0x780]  }
0x8b: {  	v58 =	vld [tilespmem:$0x190]  }
0x8c: {  	v59 =	vld [tilespmem:$0x310]  }
0x8d: {  	v60 =	vld [tilespmem:$0x490]  }
0x8e: {  	v57 =	vld [tilespmem:$0x10];
	v52 =	vmax.f32 v51, v52  }
0x8f: {  	v61 =	vld [tilespmem:$0x320];
	v53 =	vmax.f32 v50, v53;
	v54 =	vmin.f32 v49, v54;
	v55 =	vmin.f32 v48, v55  }
0x90: {  	v62 =	vld [tilespmem:$0x30];
	v52 =	vsub.f32 v54, v52;
	v53 =	vsub.f32 v55, v53  }
0x91: {  	v0 =	vld [tilespmem:$0x350];
	v58 =	vmax.f32 v50, v58;
	v59 =	vmin.f32 v49, v59  }
0x92: {  	v60 =	vmin.f32 v48, v60;
	v54 =	vld [tilespmem:$0x790];
	v52 =	vmax.f32 v52, $0.0e+00;
	v53 =	vmax.f32 v53, $0.0e+00  }
0x93: {  	v52 =	vmul.f32 v53, v52;
	v53 =	vadd.f32 v56, v47;
	v56 =	vmax.f32 v51, v57;
	v57 =	vld [tilespmem:$0x1A0]  }
0x94: {  	v58 =	vsub.f32 v60, v58;
	v56 =	vsub.f32 v59, v56;
	v59 =	vld [tilespmem:$0x4A0]  }
0x95: {  	v63 =	vld [tilespmem:$0x7B0];
	v53 =	vsub.f32 v53, v52;
	v52 =	vadd.f32 v52, v52  }
0x96: {  	v55 =	vld [tilespmem:$0x20];
	v58 =	vmax.f32 v58, $0.0e+00;
	v56 =	vmax.f32 v56, $0.0e+00  }
0x97: {  	v54 =	vadd.f32 v54, v47;
	v56 =	vmul.f32 v58, v56;
	v58 =	vld [tilespmem:$0x1B0];
	vm5 =	vgt.f32 v52, v53  }
0x98: {  	v0 =	vmin.f32 v49, v0;
	v52 =	vld [tilespmem:$0x330];
	v20 =	vsel vm5, $0xBF800000, v20;
	v57 =	vmax.f32 v50, v57  }
0x99: {  	v53 =	vsub.f32 v54, v56;
	v54 =	vadd.f32 v56, v56;
	v56 =	vld [tilespmem:$0x4B0];
	v59 =	vmin.f32 v48, v59  }
0x9a: {  	v60 =	vld [tilespmem:$0x7A0];
	vm5 =	vgt.f32 v20, $-2.000000000e+00;
	v57 =	vsub.f32 v59, v57;
	v59 =	vmax.f32 v51, v62  }
0x9b: {  	v62 =	vld [tilespmem:$0x4C0];
	vm6 =	vgt.f32 v54, v53;
	v54 =	vmax.f32 v51, v55;
	v55 =	vmin.f32 v49, v61  }
0x9c: {  	v1 =	vnsel vm5, $0xC0000000, v20;
	v53 =	vld [tilespmem:$0x40];
	v23 =	vsel vm6, $0xBF800000, v23;
	v54 =	vsub.f32 v55, v54  }
0x9d: {  	v55 =	vld [tilespmem:$0x340];
	v52 =	vmin.f32 v49, v52;
	v58 =	vmax.f32 v50, v58;
	v57 =	vmax.f32 v57, $0.0e+00  }
0x9e: {  	v61 =	vld [tilespmem:$0x1C0];
	v52 =	vsub.f32 v52, v59;
	v56 =	vmin.f32 v48, v56;
	v54 =	vmax.f32 v54, $0.0e+00  }
0x9f: {  	vm6 =	vgt.f32 v23, v1;
	v56 =	vsub.f32 v56, v58;
	v54 =	vmul.f32 v57, v54  }
0xa0: {  	v59 =	vld [tilespmem:$0x50];
	v57 =	vadd.f32 v60, v47;
	v52 =	vmax.f32 v52, $0.0e+00;
	v60 =	vadd.f32 v63, v47  }
0xa1: {  	v58 =	vld [tilespmem:$0x7C0];
	v62 =	vmin.f32 v48, v62;
	v53 =	vmax.f32 v51, v53;
	v56 =	vmax.f32 v56, $0.0e+00  }
0xa2: {  	v63 =	vld [tilespmem:$0x1D0];
	v55 =	vmin.f32 v49, v55;
	v57 =	vsub.f32 v57, v54;
	v54 =	vadd.f32 v54, v54  }
0xa3: {  	v61 =	vmax.f32 v50, v61;
	v52 =	vmul.f32 v56, v52;
	v53 =	vsub.f32 v55, v53;
	v56 =	vld [tilespmem:$0x4D0]  }
0xa4: {  	v1 =	vsel vm6, v23, v1;
	v55 =	vsub.f32 v62, v61;
	v61 =	vld [tilespmem:$0x60];
	vm7 =	vgt.f32 v54, v57  }
0xa5: {  	v62 =	vld [tilespmem:$0x1E0];
	v57 =	vmax.f32 v51, v59;
	v60 =	vsub.f32 v60, v52;
	v53 =	vmax.f32 v53, $0.0e+00  }
0xa6: {  	v54 =	vld [tilespmem:$0x4E0];
	v55 =	vmax.f32 v55, $0.0e+00;
	v52 =	vadd.f32 v52, v52;
	v24 =	vsel vm7, $0xBF800000, v24  }
0xa7: {  	v0 =	vsub.f32 v0, v57;
	v53 =	vmul.f32 v55, v53;
	v55 =	vadd.f32 v58, v47;
	v58 =	vld [tilespmem:$0x360]  }
0xa8: {  	vm7 =	vgt.f32 v24, v1;
	vm8 =	vgt.f32 v52, v60  }
0xa9: {  	v59 =	vld [tilespmem:$0x7E0];
	v60 =	vmax.f32 v50, v63;
	v0 =	vmax.f32 v0, $0.0e+00;
	v1 =	vsel vm7, v24, v1  }
0xaa: {  	v52 =	vsub.f32 v55, v53;
	v55 =	vld [tilespmem:$0x7D0];
	v53 =	vadd.f32 v53, v53;
	v56 =	vmin.f32 v48, v56  }
0xab: {  	v57 =	vld [tilespmem:$0x70];
	v62 =	vmax.f32 v50, v62;
	v25 =	vsel vm8, $0xBF800000, v25;
	v56 =	vsub.f32 v56, v60  }
0xac: {  	v60 =	vmax.f32 v51, v61;
	v61 =	vld [tilespmem:$0x1F0];
	v54 =	vmin.f32 v48, v54;
	v58 =	vmin.f32 v49, v58  }
0xad: {  	vm10 =	vgt.f32 v25, v1;
	v54 =	vsub.f32 v54, v62;
	v58 =	vsub.f32 v58, v60;
	v60 =	vld [tilespmem:$0x370]  }
0xae: {  	v62 =	vld [tilespmem:$0x4F0];
	vm9 =	vgt.f32 v53, v52;
	v1 =	vsel vm10, v25, v1;
	v56 =	vmax.f32 v56, $0.0e+00  }
0xaf: {  	v53 =	vld [tilespmem:$0x200];
	v26 =	vsel vm9, $0xBF800000, v26;
	v0 =	vmul.f32 v56, v0;
	v55 =	vadd.f32 v55, v47  }
0xb0: {  	v57 =	vmax.f32 v51, v57;
	v56 =	vadd.f32 v59, v47;
	vm9 =	vgt.f32 v26, v1  }
0xb1: {  	v59 =	vld [tilespmem:$0x380];
	v63 =	vmax.f32 v58, $0.0e+00;
	v58 =	vmax.f32 v54, $0.0e+00;
	v55 =	vsub.f32 v55, v0  }
0xb2: {  	v54 =	vld [tilespmem:$0x80];
	v0 =	vadd.f32 v0, v0;
	v52 =	vmul.f32 v58, v63;
	v58 =	vmin.f32 v49, v60  }
0xb3: {  	v60 =	vmax.f32 v50, v61;
	v61 =	vmin.f32 v48, v62;
	v57 =	vsub.f32 v58, v57;
	v58 =	vld [tilespmem:$0x500]  }
0xb4: {  	v1 =	vsel vm9, v26, v1;
	v53 =	vmax.f32 v50, v53;
	v60 =	vsub.f32 v61, v60;
	v61 =	vld [tilespmem:$0x7F0]  }
0xb5: {  	v62 =	vnsel vm5, $0x0, v2;
	vm5 =	vgt.f32 v0, v55;
	v0 =	vsub.f32 v56, v52;
	v55 =	vld [tilespmem:$0x90]  }
0xb6: {  	v52 =	vadd.f32 v52, v52;
	v63 =	vmin.f32 v49, v59;
	v59 =	vld [tilespmem:$0x390];
	v62 =	vsel vm6, v3, v62  }
0xb7: {  	v54 =	vmax.f32 v51, v54;
	v56 =	vmax.f32 v57, $0.0e+00;
	v57 =	vmax.f32 v60, $0.0e+00;
	v60 =	vld [tilespmem:$0x210]  }
0xb8: {  	v54 =	vsub.f32 v63, v54;
	v56 =	vmul.f32 v57, v56;
	v57 =	vld [tilespmem:$0x510];
	v58 =	vmin.f32 v48, v58  }
0xb9: {  	v27 =	vsel vm5, $0xBF800000, v27;
	v61 =	vadd.f32 v61, v47;
	v53 =	vsub.f32 v58, v53  }
0xba: {  	vm14 =	vgt.f32 v52, v0;
	v62 =	vsel vm7, v4, v62;
	vm15 =	vgt.f32 v27, v1;
	v58 =	vld [tilespmem:$0x800]  }
0xbb: {  	v54 =	vmax.f32 v54, $0.0e+00;
	v52 =	vsub.f32 v61, v56;
	v61 =	vld [tilespmem:$0xA0];
	v53 =	vmax.f32 v53, $0.0e+00  }
0xbc: {  	v53 =	vmul.f32 v53, v54;
	v54 =	vmax.f32 v51, v55;
	v55 =	vmin.f32 v49, v59;
	v59 =	vld [tilespmem:$0x220]  }
0xbd: {  	v60 =	vmax.f32 v50, v60;
	v57 =	vmin.f32 v48, v57;
	v54 =	vsub.f32 v55, v54;
	v55 =	vld [tilespmem:$0x3A0]  }
0xbe: {  	v62 =	vsel vm10, v5, v62;
	v56 =	vadd.f32 v56, v56;
	v57 =	vsub.f32 v57, v60;
	v60 =	vld [tilespmem:$0x520]  }
0xbf: {  	v0 =	vld [tilespmem:$0x810];
	v1 =	vsel vm15, v27, v1;
	v28 =	vsel vm14, $0xBF800000, v28;
	v58 =	vadd.f32 v58, v47  }
0xc0: {  	v62 =	vsel vm9, v6, v62;
	vm12 =	vgt.f32 v28, v1;
	vm7 =	vgt.f32 v56, v52;
	v56 =	vld [tilespmem:$0xB0]  }
0xc1: {  	v63 =	vmax.f32 v57, $0.0e+00;
	v52 =	vmax.f32 v54, $0.0e+00;
	v54 =	vld [tilespmem:$0x230];
	v57 =	vsub.f32 v58, v53  }
0xc2: {  	v53 =	vadd.f32 v53, v53;
	v58 =	vmax.f32 v51, v61;
	v61 =	vld [tilespmem:$0x3B0];
	v55 =	vmin.f32 v49, v55  }
0xc3: {  	v59 =	vmax.f32 v50, v59;
	v60 =	vmin.f32 v48, v60;
	v55 =	vsub.f32 v55, v58;
	v58 =	vld [tilespmem:$0x530]  }
0xc4: {  	v0 =	vadd.f32 v0, v47;
	v52 =	vmul.f32 v63, v52;
	v59 =	vsub.f32 v60, v59;
	v60 =	vld [tilespmem:$0x820]  }
0xc5: {  	v62 =	vsel vm15, v7, v62;
	v1 =	vsel vm12, v28, v1;
	vm6 =	vgt.f32 v53, v57;
	v53 =	vld [tilespmem:$0xC0]  }
0xc6: {  	v56 =	vmax.f32 v51, v56;
	v0 =	vsub.f32 v0, v52;
	v63 =	vmax.f32 v59, $0.0e+00;
	v59 =	vld [tilespmem:$0x240]  }
0xc7: {  	v52 =	vadd.f32 v52, v52;
	v54 =	vmax.f32 v50, v54;
	v57 =	vmin.f32 v49, v61;
	v61 =	vld [tilespmem:$0x3C0]  }
0xc8: {  	v55 =	vmax.f32 v55, $0.0e+00;
	v56 =	vsub.f32 v57, v56;
	v57 =	vld [tilespmem:$0x540];
	v58 =	vmin.f32 v48, v58  }
0xc9: {  	v55 =	vmul.f32 v63, v55;
	v60 =	vadd.f32 v60, v47;
	v54 =	vsub.f32 v58, v54  }
0xca: {  	v62 =	vsel vm12, v8, v62;
	v29 =	vsel vm7, $0xBF800000, v29;
	vm5 =	vgt.f32 v52, v0;
	v58 =	vld [tilespmem:$0x830]  }
0xcb: {  	v56 =	vmax.f32 v56, $0.0e+00;
	v52 =	vsub.f32 v60, v55;
	v60 =	vld [tilespmem:$0xD0];
	v54 =	vmax.f32 v54, $0.0e+00  }
0xcc: {  	v53 =	vmax.f32 v51, v53;
	v54 =	vmul.f32 v54, v56;
	v56 =	vmin.f32 v49, v61;
	v61 =	vld [tilespmem:$0x250]  }
0xcd: {  	v59 =	vmax.f32 v50, v59;
	v57 =	vmin.f32 v48, v57;
	v53 =	vsub.f32 v56, v53;
	v56 =	vld [tilespmem:$0x3D0]  }
0xce: {  	vm14 =	vgt.f32 v29, v1;
	v55 =	vadd.f32 v55, v55;
	v57 =	vsub.f32 v57, v59;
	v59 =	vld [tilespmem:$0x550]  }
0xcf: {  	v1 =	vsel vm14, v29, v1;
	v30 =	vsel vm6, $0xBF800000, v30;
	v0 =	vld [tilespmem:$0x840];
	v58 =	vadd.f32 v58, v47  }
0xd0: {  	v62 =	vsel vm14, v9, v62;
	vm6 =	vgt.f32 v30, v1;
	vm13 =	vgt.f32 v55, v52;
	v55 =	vld [tilespmem:$0xE0]  }
0xd1: {  	v63 =	vmax.f32 v57, $0.0e+00;
	v52 =	vmax.f32 v53, $0.0e+00;
	v53 =	vld [tilespmem:$0x260];
	v57 =	vsub.f32 v58, v54  }
0xd2: {  	v54 =	vadd.f32 v54, v54;
	v58 =	vmax.f32 v51, v60;
	v60 =	vld [tilespmem:$0x3E0];
	v56 =	vmin.f32 v49, v56  }
0xd3: {  	v61 =	vmax.f32 v50, v61;
	v59 =	vmin.f32 v48, v59;
	v56 =	vsub.f32 v56, v58;
	v58 =	vld [tilespmem:$0x560]  }
0xd4: {  	v0 =	vadd.f32 v0, v47;
	v52 =	vmul.f32 v63, v52;
	v59 =	vsub.f32 v59, v61;
	v61 =	vld [tilespmem:$0x850]  }
0xd5: {  	v1 =	vsel vm6, v30, v1;
	v55 =	vmax.f32 v51, v55;
	vm7 =	vgt.f32 v54, v57;
	v54 =	vld [tilespmem:$0x860]  }
0xd6: {  	v0 =	vsub.f32 v0, v52;
	v52 =	vadd.f32 v52, v52;
	v63 =	vmax.f32 v59, $0.0e+00;
	v59 =	vld [tilespmem:$0xF0]  }
0xd7: {  	v53 =	vmax.f32 v50, v53;
	v56 =	vmax.f32 v56, $0.0e+00;
	v57 =	vmin.f32 v49, v60;
	v60 =	vld [tilespmem:$0x270]  }
0xd8: {  	v56 =	vmul.f32 v63, v56;
	v55 =	vsub.f32 v57, v55;
	v57 =	vld [tilespmem:$0x3F0];
	v58 =	vmin.f32 v48, v58  }
0xd9: {  	v31 =	vsel vm5, $0xBF800000, v31;
	v61 =	vadd.f32 v61, v47;
	v53 =	vsub.f32 v58, v53;
	v58 =	vld [tilespmem:$0x570]  }
0xda: {  	vm5 =	vgt.f32 v31, v1;
	vm15 =	vgt.f32 v52, v0;
	v52 =	vadd.f32 v56, v56  }
0xdb: {  	v55 =	vmax.f32 v55, $0.0e+00;
	v0 =	vsub.f32 v61, v56;
	v56 =	vld [tilespmem:$0x870];
	v53 =	vmax.f32 v53, $0.0e+00  }
0xdc: {  	v54 =	vadd.f32 v54, v47;
	v61 =	vld [tilespmem:$0x280];
	v60 =	vmax.f32 v50, v60;
	v53 =	vmul.f32 v53, v55  }
0xdd: {  	v57 =	vmin.f32 v49, v57;
	vm12 =	vgt.f32 v52, v0;
	v52 =	vld [tilespmem:$0x580];
	v55 =	vmax.f32 v51, v59  }
0xde: {  	v59 =	vld [tilespmem:$0x100];
	v55 =	vsub.f32 v57, v55;
	v58 =	vmin.f32 v48, v58;
	v0 =	vsub.f32 v54, v53  }
0xdf: {  	v1 =	vsel vm5, v31, v1;
	v53 =	vadd.f32 v53, v53;
	v57 =	vsub.f32 v58, v60;
	v58 =	vld [tilespmem:$0x400]  }
0xe0: {  	v32 =	vsel vm13, $0xBF800000, v32;
	v60 =	vsel vm6, v10, v62;
	v62 =	vmax.f32 v55, $0.0e+00;
	v55 =	vld [tilespmem:$0x590]  }
0xe1: {  	v33 =	vsel vm7, $0xBF800000, v33;
	vm7 =	vgt.f32 v32, v1;
	vm6 =	vgt.f32 v53, v0;
	v0 =	vld [tilespmem:$0x410]  }
0xe2: {  	v1 =	vsel vm7, v32, v1;
	v34 =	vsel vm15, $0xBF800000, v34;
	v63 =	vmax.f32 v57, $0.0e+00;
	v57 =	vld [tilespmem:$0x110]  }
0xe3: {  	vm13 =	vgt.f32 v33, v1;
	v54 =	vmul.f32 v63, v62;
	v62 =	vadd.f32 v56, v47;
	v56 =	vld [tilespmem:$0x290]  }
0xe4: {  	v1 =	vsel vm13, v33, v1;
	v61 =	vmax.f32 v50, v61;
	v60 =	vsel vm5, v11, v60  }
0xe5: {  	v52 =	vmin.f32 v48, v52;
	v53 =	vsub.f32 v62, v54;
	v54 =	vadd.f32 v54, v54  }
0xe6: {  	v52 =	vsub.f32 v52, v61;
	v63 =	vmax.f32 v51, v59;
	v58 =	vmin.f32 v49, v58  }
0xe7: {  	v59 =	vld [tilespmem:$0x880];
	v55 =	vmin.f32 v48, v55;
	v0 =	vmin.f32 v49, v0;
	vm5 =	vgt.f32 v54, v53  }
0xe8: {  	v53 =	vsub.f32 v58, v63;
	v62 =	vmax.f32 v51, v57;
	v57 =	vld [tilespmem:$0x890];
	v56 =	vmax.f32 v50, v56  }
0xe9: {  	v35 =	vsel vm12, $0xBF800000, v35;
	v58 =	vld [tilespmem:$0x120];
	v0 =	vsub.f32 v0, v62;
	v63 =	vsub.f32 v55, v56  }
0xea: {  	v36 =	vsel vm6, $0xBF800000, v36;
	v52 =	vmax.f32 v52, $0.0e+00;
	v62 =	vld [tilespmem:$0x5A0];
	v37 =	vsel vm5, $0xBF800000, v37  }
0xeb: {  	v53 =	vmax.f32 v53, $0.0e+00;
	v56 =	vld [tilespmem:$0x420];
	v0 =	vmax.f32 v0, $0.0e+00;
	v61 =	vmax.f32 v63, $0.0e+00  }
0xec: {  	v55 =	vld [tilespmem:$0x2A0];
	v52 =	vmul.f32 v52, v53;
	v63 =	vadd.f32 v59, v47;
	v0 =	vmul.f32 v61, v0  }
0xed: {  	v61 =	vsel vm7, v12, v60;
	vm7 =	vgt.f32 v34, v1;
	v57 =	vadd.f32 v57, v47  }
0xee: {  	v58 =	vmax.f32 v51, v58;
	v1 =	vsel vm7, v34, v1;
	v53 =	vsub.f32 v63, v52  }
0xef: {  	v60 =	vld [tilespmem:$0x430];
	v52 =	vadd.f32 v52, v52;
	v54 =	vmin.f32 v48, v62;
	v59 =	vsel vm13, v13, v61  }
0xf0: {  	v62 =	vld [tilespmem:$0x130];
	v56 =	vmin.f32 v49, v56;
	v63 =	vsub.f32 v57, v0;
	v0 =	vadd.f32 v0, v0  }
0xf1: {  	v61 =	vld [tilespmem:$0x5B0];
	v55 =	vmax.f32 v50, v55;
	vm14 =	vgt.f32 v35, v1;
	v56 =	vsub.f32 v56, v58  }
0xf2: {  	v54 =	vsub.f32 v54, v55;
	v55 =	vld [tilespmem:$0x2B0];
	vm15 =	vgt.f32 v52, v53;
	vm6 =	vgt.f32 v0, v63  }
0xf3: {  	v52 =	vld [tilespmem:$0x8A0];
	v0 =	vsel vm14, v35, v1;
	v63 =	vsel vm7, v14, v59;
	v40 =	vsel vm15, $0xBF800000, v40  }
0xf4: {  	v56 =	vmax.f32 v56, $0.0e+00;
	v54 =	vmax.f32 v54, $0.0e+00;
	vm7 =	vgt.f32 v36, v0  }
0xf5: {  	v59 =	vmin.f32 v49, v60;
	v63 =	vsel vm14, v15, v63;
	v1 =	vmul.f32 v54, v56  }
0xf6: {  	v60 =	vld [tilespmem:$0x8B0];
	v62 =	vmax.f32 v51, v62;
	v0 =	vsel vm7, v36, v0;
	v61 =	vmin.f32 v48, v61  }
0xf7: {  	vm5 =	vgt.f32 v37, v0;
	v49 =	vsub.f32 v59, v62;
	v58 =	vmax.f32 v50, v55  }
0xf8: {  	v0 =	vsel vm5, v37, v0;
	v62 =	vadd.f32 v52, v47;
	v48 =	vsub.f32 v61, v58  }
0xf9: {  	v43 =	vsel vm6, $0xBF800000, v43;
	vm9 =	vgt.f32 v40, v0;
	v49 =	vmax.f32 v49, $0.0e+00  }
0xfa: {  	v0 =	vsel vm9, v40, v0;
	v50 =	vsub.f32 v62, v1;
	v48 =	vmax.f32 v48, $0.0e+00  }
0xfb: {  	v1 =	vadd.f32 v1, v1;
	v52 =	vadd.f32 v60, v47;
	v48 =	vmul.f32 v48, v49  }
0xfc: {  	v53 =	vsel vm7, v16, v63;
	vm6 =	vgt.f32 v43, v0  }
0xfd: {  	vm7 =	vgt.f32 v1, v50;
	v1 =	vsub.f32 v52, v48;
	v54 =	vadd.f32 v48, v48  }
0xfe: {  	v55 =	vsel vm5, v17, v53;
	v0 =	vsel vm6, v43, v0;
	v44 =	vsel vm7, $0xBF800000, v44  }
0xff: {  	v48 =	vsel vm9, v18, v55;
	vm5 =	vgt.f32 v44, v0;
	vm7 =	vgt.f32 v54, v1  }
0x100: {  	v0 =	vsel vm5, v44, v0;
	v1 =	vsel vm6, v19, v48;
	v46 =	vsel vm7, $0xBF800000, v46  }
0x101: {  	v1 =	vsel vm5, v21, v1;
	vm5 =	vgt.f32 v46, v0  }
0x102: {  	v0 =	vsel vm5, v46, v0;
	v1 =	vsel vm5, v22, v1  }
0x103: {  	v56 =	vperm.xlane v0, v38;
	v57 =	vperm.xlane v1, v38;
	_ =	sdelay $0x1  }
0x104: {  	vm5 =	veq.f32 v56, v0;
	vm6 =	vlt.s32 v57, v1  }
0x105: {  	vm7 =	vgt.f32 v56, v0;
	vm5 =	vmand vm5, vm6  }
0x106: {  	vm5 =	vmor vm7, vm5  }
0x107: {  	v0 =	vsel vm5, v56, v0;
	v1 =	vsel vm5, v57, v1  }
0x108: {  	v47 =	vperm.xlane v0, v39;
	v48 =	vperm.xlane v1, v39;
	_ =	sdelay $0x1  }
0x109: {  	vm5 =	veq.f32 v47, v0;
	vm6 =	vlt.s32 v48, v1  }
0x10a: {  	vm7 =	vgt.f32 v47, v0;
	vm5 =	vmand vm5, vm6  }
0x10b: {  	vm5 =	vmor vm7, vm5  }
0x10c: {  	v0 =	vsel vm5, v47, v0;
	v1 =	vsel vm5, v48, v1  }
0x10d: {  	v47 =	vperm.xlane v0, v41;
	v48 =	vperm.xlane v1, v41;
	_ =	sdelay $0x1  }
0x10e: {  	vm5 =	veq.f32 v47, v0;
	vm6 =	vlt.s32 v48, v1  }
0x10f: {  	vm7 =	vgt.f32 v47, v0;
	vm5 =	vmand vm5, vm6  }
0x110: {  	vm5 =	vmor vm7, vm5  }
0x111: {  	v0 =	vsel vm5, v47, v0;
	v1 =	vsel vm5, v48, v1  }
0x112: {  	v47 =	vperm.xlane v0, v42;
	v48 =	vperm.xlane v1, v42  }
0x113: {  	v58 =	vld [tilespmem:$0x1FFE0]  }
0x114: {  	vm5 =	veq.f32 v47, v0;
	vm6 =	vlt.s32 v48, v1  }
0x115: {  	vm7 =	vgt.f32 v47, v0;
	vm5 =	vmand vm5, vm6  }
0x116: {  	vm5 =	vmor vm7, vm5  }
0x117: {  	v1 =	vsel vm5, v48, v1  }
0x118: {  	v48 =	vsub.s32 v1, v58;
	_ =	sdelay $0x4  }
0x119: {  	v59 =	vld.idx.msk [tilespmem:v48+s6+$0x0], $0xffff  }
0x11a: {  	v60 =	vld.idx.msk [tilespmem:v48+s7+$0x0], $0xffff  }
0x11b: {  	v61 =	vld.idx.msk [tilespmem:v48+s5+$0x0], $0xffff  }
0x11c: {  	v48 =	vld.idx.msk [tilespmem:v48+s3+$0x0], $0xffff;
	_ =	sdelay $0x2  }
0x11d: {  	v49 =	vsel vm0, v60, v59  }
0x11e: {  	v1 =	vcvt.s32.f32 v1;
	v49 =	vsel vm1, v49, v61  }
0x11f: {  	v48 =	vsel vm2, v49, v48  }
0x120: {  	s16 =	sand.u32 $0x80, s13;
	v0 =	vsel vm5, v47, v0;
	v1 =	vsel vm3, v48, v1  }
0x121: {  	s16 =	sadd.s32 s16, s2;
	v0 =	vsel vm4, v0, v1  }
0x122: {  	s17 =	sadd.s32 s9, s16;
	[tilespmem:$0x900] =	vst v0  }
0x123: {  	[spmem:s17] =	stream.linear.scatter [tilespmem:s10], [sflag:$0x1], $0x8, $0x38;
	[tilespmem:$0xC10] =	vst v63  }
0x124: {  	_ =	swait.ge [sflag:s4], $0x8  }
0x125: {  	[sflag:s4] =	ssyncset.done $0x0  }
0x126: {  	[sflag:s4] =	ssyncadd.s32 $0xFFFFFFF8  }
0x127: {  	[bflag:$0x0] =	sbarrier.arrive $0xFFFF  }
0x128: {  	[tilespmem:s11], [sflag:$0x1] =	stream.linear.gather [spmem:s16], $0x80, $0x38;
	[tilespmem:$0xC10] =	vst v63  }
0x129: {  	_ =	swait.ge [sflag:s4], $0x80  }
0x12a: {  	[sflag:s4] =	ssyncset.done $0x0  }
0x12b: {  	[sflag:s4] =	ssyncadd.s32 $0xFFFFFF80  }
0x12c: {  	v0 =	vld.idx.msk [tilespmem:v45+s11+$0x0], $0xffff;
	_ =	sdelay $0x4  }
0x12d: {  	(xrf0) =	vmax.scan.msk.f32 $0xffff, v0;
	_ =	sdelay $0x5  }
0x12e: {  	v47, _, _ =	vpop (xrf0)  }
0x12f: {  	v1 =	vbroadcast v47, $0xF;
	_ =	sdelay $0x1  }
0x130: {  	vm5 =	veq.f32 v0, v1  }
0x131: {  	v0 =	vmctz.xlane vm5;
	_ =	sdelay $0x1  }
0x132: {  	v0 =	vshll.u32 v0, $0x3  }
0x133: {  	v1 =	vor.u32 $0x2, v0  }
0x134: {  	v62 =	vor.u32 $0x3, v0  }
0x135: {  	v63 =	vor.u32 $0x4, v0  }
0x136: {  	v0 =	vor.u32 $0x5, v0;
	_ =	sdelay $0x1  }
0x137: {  	v51 =	vld.idx.msk [tilespmem:v1+s11+$0x0], $0xffff  }
0x138: {  	v50 =	vld.idx.msk [tilespmem:v62+s11+$0x0], $0xffff  }
0x139: {  	v49 =	vld.idx.msk [tilespmem:v63+s11+$0x0], $0xffff  }
.Ltmp1:
0x13a: {  	v48 =	vld.idx.msk [tilespmem:v0+s11+$0x0], $0xffff;
	(pc) =	sbr.rel @!p0 .LBB2_2-.Ltmp1, $1  }
0x13b: {  	_ =	sdelay $0x3  }
0x13c: {  	p1 =	seq.s32 s8, $0x0  }
.Ltmp2:
0x13d: {  	_ = 	snop;
	(pc) =	sbr.rel @p1 .LBB2_8-.Ltmp2, $1  }
0x13e: {  	_ =	sdelay $0x3  }
.Ltmp3:
0x13f: {  	(pc) =	sbr.rel .LBB2_4-.Ltmp3, $2  }
0x140: {  	_ =	sdelay $0x2  }
0x141: {  	s15 =	sadd.s32 $0x1, s15  }
.LBB2_2:
0x142: {  	(v2sf) =	vpush v47, $0xF;
	_ =	sdelay $0xe  }
0x143: {  	s16 =	spop (v2sf)  }
0x144: {  	p1 =	sge.f32 s16, $0.0e+00  }
0x145: {  	v1 =	vlaneseq.u32;
	s16 =	simm.f32 $1.000000000e+00  }
0x146: {  	v0 =	vsel vm2, v48, v49;
	v1 =	vadd.s32 s14, v1;
	s16 =	simm.s32 @!p1 $0x0;
	p1 =	seq.s32 s8, $0x0  }
.Ltmp4:
0x147: {  	v0 =	vsel vm3, v0, v50;
	(pc) =	sbr.rel @p1 .LBB2_7-.Ltmp4, $3  }
0x148: {  	v0 =	vsel vm4, v51, v0  }
0x149: {  	v0 =	vmul.f32 s16, v0;
	_ =	sdelay $0x1  }
0x14a: {  	[tilespmem:v1+s12+$0x0] =	vst.idx.msk $0xf, v0  }
.Ltmp5:
0x14b: {  	(pc) =	sbr.rel .LBB2_4-.Ltmp5, $2  }
0x14c: {  	_ =	sdelay $0x2  }
0x14d: {  	s15 =	sadd.s32 $0x1, s15  }
.LBB2_7:
0x14e: {  	s2 =	simm.s32 $0x0;
	s3 =	simm.s32 $0xA10;
	s31 =	simm.s32 $0x1  }
0x14f: {  	[hbm4b:s1+s2] =	stream.linear.scatter [tilespmem:s3], [sflag:$0x1], $0x190, $0x38;
	[tilespmem:$0xC10] =	vst v63  }
0x150: {  	_ =	swait.ge [sflag:s31], $0x190  }
0x151: {  	[sflag:s31] =	ssyncset.done $0x0  }
0x152: {  	[sflag:s31] =	ssyncadd.s32 $0xFFFFFE70  }
.LBB2_8:
0x153: {  	_ =	sfence.sel $0x180000  }
0x154: {  	[bflag:$0x0] =	sbarrier.arrive $0xFFFF  }
0x155: {  	_ =	strace $0x90000047  }
0x156: {  	s0 =	sadd.s32 @!p0 $0x100000, s0;
	[bflag:$0x2] =	sbarrier.arrive $0xFFFF  }
0x157: {  	[sflag:s0] =	ssyncadd.tile.s32 @!p0 $0x1;
	_ =	shalt  }
.Lfunc_end2:
_tile_overlayer_lowered:
.L_overlay_start_2:
0x158: {  	(tag) =	ssettag $0x2  }
0x159: {  	s0 =	rddreg [dreg:$0x0];
	s2 =	stileid.u32  }
0x15a: {  	s1 =	rddreg [dreg:$0x1];
	p0 =	sne.s32 s2, $0x0  }
0x15b: {  	s3 =	rddreg [dreg:$0x2];
	[bflag:$0x3] =	sbarrier.arrive $0xFFFF;
	s2 =	simm.s32 @!p0 $0x1C01  }
0x15c: {  	[timem:s3], [sflag:s2] =	dma.local @!p0 [hbm:s0], s1  }
0x15d: {  	s0 =	simm.s32 @!p0 $0x1  }
0x15e: {  	_ =	swait.ge @!p0 [sflag:s0], s1  }
0x15f: {  	s1 =	ssub.s32 @!p0 $0x0, s1;
	[sflag:s0] =	ssyncset.done @!p0 $0x0  }
0x160: {  	[sflag:s0] =	ssyncadd.s32 @!p0 s1  }
0x161: {  	[bflag:$0x3] =	sbarrier.arrive $0xFFFF  }
0x162: {  	_ =	shalt  }

</sc_bundles>
